<compile_context>
chip_gen: v7x
topology: tpu7x:2x2x1
jax: 0.10.2.dev20260603
libtpu: 0.0.44.dev20260713+nightly
codegen_flags: <defaults>
</compile_context>

<pallas_src>
import functools

import jax
import jax.numpy as jnp
from jax import lax
from jax.experimental import pallas as pl
from jax.experimental.pallas import tpu as pltpu
from jax.experimental.pallas import tpu_sc as plsc

_NC = 2
_NS = 16
_NW = _NC * _NS

_WDIMS = 32
_CHUNK = 400
_NBUF = 8
_DIST = _NBUF // 2


def _make_lookup(n_idx: int):
  per_w = n_idx // _NW
  n_chunks = per_w // _CHUNK
  n_groups = n_chunks // _NBUF
  assert per_w * _NW == n_idx and n_chunks * _CHUNK == per_w
  assert n_groups * _NBUF == n_chunks and n_chunks >= _NBUF

  mesh = plsc.VectorSubcoreMesh(core_axis_name="c", subcore_axis_name="s")

  @functools.partial(
      pl.kernel,
      mesh=mesh,
      out_type=jax.ShapeDtypeStruct((n_idx, _WDIMS), jnp.float32),
      scratch_types=[
          pltpu.VMEM((per_w,), jnp.int32),
          pltpu.VMEM((_NBUF, _CHUNK, _WDIMS), jnp.float32),
          pltpu.SemaphoreType.DMA((_NBUF,)),
          pltpu.SemaphoreType.DMA((_NBUF,)),
      ],
      compiler_params=pltpu.CompilerParams(use_tc_tiling_on_sc=False),
  )
  def lookup(idx_hbm, table_hbm, out_hbm, idx_v, rows_v, gsem, osem):
    wid = lax.axis_index("s") * _NC + lax.axis_index("c")
    base = wid * per_w
    pltpu.sync_copy(idx_hbm.at[pl.ds(base, per_w)], idx_v)

    def gather_desc(j, buf):
      return pltpu.make_async_copy(
          table_hbm.at[idx_v.at[pl.ds(j * _CHUNK, _CHUNK)]],
          rows_v.at[buf],
          gsem.at[buf],
      )

    def out_desc(j, buf):
      return pltpu.make_async_copy(
          rows_v.at[buf],
          out_hbm.at[pl.ds(base + j * _CHUNK, _CHUNK)],
          osem.at[buf],
      )

    for p in range(_DIST):
      gather_desc(p, p).start()

    def step(j, b):
      @pl.when(j >= _DIST)
      def _():
        out_desc(j - _DIST, (b + _DIST) % _NBUF).wait()

      @pl.when(j + _DIST < n_chunks)
      def _():
        gather_desc(j + _DIST, (b + _DIST) % _NBUF).start()

      gather_desc(j, b).wait()
      out_desc(j, b).start()

    def group_body(g, carry):
      j0 = g * _NBUF
      for b in range(_NBUF):
        step(j0 + b, b)
      return carry

    lax.fori_loop(0, n_groups, group_body, 0)
    for p in range(_DIST):
      j = n_chunks - _DIST + p
      out_desc(j, j % _NBUF).wait()

  return lookup


def kernel(inputs, table):
  batch, hist = inputs.shape
  n_idx = batch * hist
  idx = inputs.T.reshape(n_idx).astype(jnp.int32)
  out = _make_lookup(n_idx)(idx, table)
  return out.reshape(hist, batch, table.shape[1]).transpose(1, 0, 2)

# --- scband reference (transcript-rebuilt; emitter-appended) ---
"""Pipeline reference for scband-embeddings-module-3547642986894 (READ-ONLY COPY).

The authoritative reference and input builder live on the scoring server;
editing this copy changes nothing except your own understanding.
"""

import jax, jax.numpy as jnp
import numpy as np

VOCAB = 1000000
WDIMS = 32
BATCH = 16384
HIST = 50

def setup_inputs(seed: int = 0) -> dict:
    key = jax.random.key(seed)
    k_idx, k_tab = jax.random.split(key)
    inputs = jax.random.randint(k_idx, (BATCH, HIST), 0, VOCAB, dtype=jnp.int64) if jax.config.jax_enable_x64 else jax.random.randint(k_idx, (BATCH, HIST), 0, VOCAB, dtype=jnp.int32)
    table = jax.random.normal(k_tab, (VOCAB, WDIMS), dtype=jnp.float32)  # stddev=1.0 per initializer
    return {"inputs": inputs, "table": table}

def reference(inputs, table):
    # EmbeddingsModule.call: word_vec = self.wlookup(inputs)
    word_vec = jnp.take(table, inputs, axis=0)
    return word_vec

if __name__ == "__main__":
    import jax
    _d = setup_inputs()
    print(jax.jit(kernel)(*tuple(_d.values())))

</pallas_src>

<mosaic_0001>
#map = affine_map<(d0, d1) -> (0)>
#map1 = affine_map<(d0, d1) -> (0, 0)>
module attributes {stable_mosaic.version = 14 : i64} {
  func.func @lookup(%arg0: i32, %arg1: i32, %arg2: memref<819200xi32, #tpu.memory_space<hbm>>, %arg3: memref<1000000x32xf32, #tpu.memory_space<hbm>>, %arg4: memref<819200x32xf32, #tpu.memory_space<hbm>>, %arg5: memref<25600xi32, #tpu.memory_space<vmem>>, %arg6: memref<8x400x32xf32, #tpu.memory_space<vmem>>, %arg7: memref<8x!tpu.dma_semaphore, #tpu.memory_space<semaphore_mem>>, %arg8: memref<8x!tpu.dma_semaphore, #tpu.memory_space<semaphore_mem>>) attributes {dimension_semantics = [#tpu.dimension_semantics<core_parallel>, #tpu.dimension_semantics<subcore_parallel>], iteration_bounds = array<i64: 2, 16>, scalar_prefetch = 0 : i64, scratch_operands = 4 : i64, tpu.core_type = #tpu.core_type<sc_vector_subcore>, window_params = [{transform_indices = #map}, {transform_indices = #map1}, {transform_indices = #map1}]} {
    %mul3A = arith.constant 2 : i32
    %mul3A_0 = arith.muli %arg1, %mul3A : i32
    %add3A = arith.addi %mul3A_0, %arg0 : i32
    %mul3A_1 = arith.constant 25600 : i32
    %mul3A_2 = arith.muli %add3A, %mul3A_1 : i32
    "tpu.region"() ({
      %run_scoped3A = tpu.sem_alloc : memref<!tpu.dma_semaphore, #tpu.memory_space<semaphore_mem>>
      %dma_start3A_130 = tpu.memref_slice %arg2[%mul3A_2] : memref<819200xi32, #tpu.memory_space<hbm>> -> memref<25600xi32, #tpu.memory_space<hbm>>
      %dma_start3A_131 = tpu.memref_slice %arg2[%mul3A_2] : memref<819200xi32, #tpu.memory_space<hbm>> -> memref<25600xi32, #tpu.memory_space<hbm>>
      tpu.enqueue_dma source(%dma_start3A_131 : memref<25600xi32, #tpu.memory_space<hbm>>) target(%arg5 : memref<25600xi32, #tpu.memory_space<vmem>>) target_semaphore(%run_scoped3A : memref<!tpu.dma_semaphore, #tpu.memory_space<semaphore_mem>>)
      %dma_wait3A_132 = tpu.memref_slice %arg2[%mul3A_2] : memref<819200xi32, #tpu.memory_space<hbm>> -> memref<25600xi32, #tpu.memory_space<hbm>>
      %dma_wait3A_133 = tpu.memref_slice %arg2[%mul3A_2] : memref<819200xi32, #tpu.memory_space<hbm>> -> memref<25600xi32, #tpu.memory_space<hbm>>
      tpu.wait_dma2 semaphore(%run_scoped3A : memref<!tpu.dma_semaphore, #tpu.memory_space<semaphore_mem>>) src(%dma_wait3A_133 : memref<25600xi32, #tpu.memory_space<hbm>>) dst(%arg5 : memref<25600xi32, #tpu.memory_space<vmem>>)
      tpu.yield
    }) : () -> ()
    %dma_start3A = arith.constant 0 : i32
    %dma_start3A_3 = arith.constant 0 : i32
    %dma_start3A_4 = arith.constant 0 : i32
    %dma_start3A_5 = arith.constant 0 : i32
    %dma_start3A_6 = tpu.memref_slice %arg6[%dma_start3A, %dma_start3A_4, %dma_start3A_5] : memref<8x400x32xf32, #tpu.memory_space<vmem>> -> memref<1x400x32xf32, #tpu.memory_space<vmem>>
    %dma_start3A_7 = tpu.memref_squeeze %dma_start3A_6 : memref<1x400x32xf32, #tpu.memory_space<vmem>> -> memref<400x32xf32, #tpu.memory_space<vmem>>
    %dma_start3A_8 = arith.constant 0 : i32
    %dma_start3A_9 = tpu.memref_slice %arg5[%dma_start3A_8] : memref<25600xi32, #tpu.memory_space<vmem>> -> memref<400xi32, #tpu.memory_space<vmem>>
    %dma_start3A_10 = arith.constant 0 : i32
    %dma_start3A_11 = arith.constant 0 : i32
    %dma_start3A_12 = tpu.memref_slice %arg3[%dma_start3A_10, %dma_start3A_11] : memref<1000000x32xf32, #tpu.memory_space<hbm>> -> memref<1000000x32xf32, #tpu.memory_space<hbm>>
    %dma_start3A_13 = tpu.memref_slice %arg7[%dma_start3A_3] : memref<8x!tpu.dma_semaphore, #tpu.memory_space<semaphore_mem>> -> memref<1x!tpu.dma_semaphore, #tpu.memory_space<semaphore_mem>>
    %dma_start3A_14 = tpu.memref_squeeze %dma_start3A_13 : memref<1x!tpu.dma_semaphore, #tpu.memory_space<semaphore_mem>> -> memref<!tpu.dma_semaphore, #tpu.memory_space<semaphore_mem>>
    tpu.enqueue_indirect_dma source(%dma_start3A_12 : memref<1000000x32xf32, #tpu.memory_space<hbm>>) target(%dma_start3A_7 : memref<400x32xf32, #tpu.memory_space<vmem>>) offsets(%dma_start3A_9 : memref<400xi32, #tpu.memory_space<vmem>>) semaphore(%dma_start3A_14 : memref<!tpu.dma_semaphore, #tpu.memory_space<semaphore_mem>>)
    %dma_start3A_15 = arith.constant 1 : i32
    %dma_start3A_16 = arith.constant 1 : i32
    %dma_start3A_17 = arith.constant 0 : i32
    %dma_start3A_18 = arith.constant 0 : i32
    %dma_start3A_19 = tpu.memref_slice %arg6[%dma_start3A_15, %dma_start3A_17, %dma_start3A_18] : memref<8x400x32xf32, #tpu.memory_space<vmem>> -> memref<1x400x32xf32, #tpu.memory_space<vmem>>
    %dma_start3A_20 = tpu.memref_squeeze %dma_start3A_19 : memref<1x400x32xf32, #tpu.memory_space<vmem>> -> memref<400x32xf32, #tpu.memory_space<vmem>>
    %dma_start3A_21 = arith.constant 400 : i32
    %dma_start3A_22 = tpu.memref_slice %arg5[%dma_start3A_21] : memref<25600xi32, #tpu.memory_space<vmem>> -> memref<400xi32, #tpu.memory_space<vmem>>
    %dma_start3A_23 = arith.constant 0 : i32
    %dma_start3A_24 = arith.constant 0 : i32
    %dma_start3A_25 = tpu.memref_slice %arg3[%dma_start3A_23, %dma_start3A_24] : memref<1000000x32xf32, #tpu.memory_space<hbm>> -> memref<1000000x32xf32, #tpu.memory_space<hbm>>
    %dma_start3A_26 = tpu.memref_slice %arg7[%dma_start3A_16] : memref<8x!tpu.dma_semaphore, #tpu.memory_space<semaphore_mem>> -> memref<1x!tpu.dma_semaphore, #tpu.memory_space<semaphore_mem>>
    %dma_start3A_27 = tpu.memref_squeeze %dma_start3A_26 : memref<1x!tpu.dma_semaphore, #tpu.memory_space<semaphore_mem>> -> memref<!tpu.dma_semaphore, #tpu.memory_space<semaphore_mem>>
    tpu.enqueue_indirect_dma source(%dma_start3A_25 : memref<1000000x32xf32, #tpu.memory_space<hbm>>) target(%dma_start3A_20 : memref<400x32xf32, #tpu.memory_space<vmem>>) offsets(%dma_start3A_22 : memref<400xi32, #tpu.memory_space<vmem>>) semaphore(%dma_start3A_27 : memref<!tpu.dma_semaphore, #tpu.memory_space<semaphore_mem>>)
    %dma_start3A_28 = arith.constant 2 : i32
    %dma_start3A_29 = arith.constant 2 : i32
    %dma_start3A_30 = arith.constant 0 : i32
    %dma_start3A_31 = arith.constant 0 : i32
    %dma_start3A_32 = tpu.memref_slice %arg6[%dma_start3A_28, %dma_start3A_30, %dma_start3A_31] : memref<8x400x32xf32, #tpu.memory_space<vmem>> -> memref<1x400x32xf32, #tpu.memory_space<vmem>>
    %dma_start3A_33 = tpu.memref_squeeze %dma_start3A_32 : memref<1x400x32xf32, #tpu.memory_space<vmem>> -> memref<400x32xf32, #tpu.memory_space<vmem>>
    %dma_start3A_34 = arith.constant 800 : i32
    %dma_start3A_35 = tpu.memref_slice %arg5[%dma_start3A_34] : memref<25600xi32, #tpu.memory_space<vmem>> -> memref<400xi32, #tpu.memory_space<vmem>>
    %dma_start3A_36 = arith.constant 0 : i32
    %dma_start3A_37 = arith.constant 0 : i32
    %dma_start3A_38 = tpu.memref_slice %arg3[%dma_start3A_36, %dma_start3A_37] : memref<1000000x32xf32, #tpu.memory_space<hbm>> -> memref<1000000x32xf32, #tpu.memory_space<hbm>>
    %dma_start3A_39 = tpu.memref_slice %arg7[%dma_start3A_29] : memref<8x!tpu.dma_semaphore, #tpu.memory_space<semaphore_mem>> -> memref<1x!tpu.dma_semaphore, #tpu.memory_space<semaphore_mem>>
    %dma_start3A_40 = tpu.memref_squeeze %dma_start3A_39 : memref<1x!tpu.dma_semaphore, #tpu.memory_space<semaphore_mem>> -> memref<!tpu.dma_semaphore, #tpu.memory_space<semaphore_mem>>
    tpu.enqueue_indirect_dma source(%dma_start3A_38 : memref<1000000x32xf32, #tpu.memory_space<hbm>>) target(%dma_start3A_33 : memref<400x32xf32, #tpu.memory_space<vmem>>) offsets(%dma_start3A_35 : memref<400xi32, #tpu.memory_space<vmem>>) semaphore(%dma_start3A_40 : memref<!tpu.dma_semaphore, #tpu.memory_space<semaphore_mem>>)
    %dma_start3A_41 = arith.constant 3 : i32
    %dma_start3A_42 = arith.constant 3 : i32
    %dma_start3A_43 = arith.constant 0 : i32
    %dma_start3A_44 = arith.constant 0 : i32
    %dma_start3A_45 = tpu.memref_slice %arg6[%dma_start3A_41, %dma_start3A_43, %dma_start3A_44] : memref<8x400x32xf32, #tpu.memory_space<vmem>> -> memref<1x400x32xf32, #tpu.memory_space<vmem>>
    %dma_start3A_46 = tpu.memref_squeeze %dma_start3A_45 : memref<1x400x32xf32, #tpu.memory_space<vmem>> -> memref<400x32xf32, #tpu.memory_space<vmem>>
    %dma_start3A_47 = arith.constant 1200 : i32
    %dma_start3A_48 = tpu.memref_slice %arg5[%dma_start3A_47] : memref<25600xi32, #tpu.memory_space<vmem>> -> memref<400xi32, #tpu.memory_space<vmem>>
    %dma_start3A_49 = arith.constant 0 : i32
    %dma_start3A_50 = arith.constant 0 : i32
    %dma_start3A_51 = tpu.memref_slice %arg3[%dma_start3A_49, %dma_start3A_50] : memref<1000000x32xf32, #tpu.memory_space<hbm>> -> memref<1000000x32xf32, #tpu.memory_space<hbm>>
    %dma_start3A_52 = tpu.memref_slice %arg7[%dma_start3A_42] : memref<8x!tpu.dma_semaphore, #tpu.memory_space<semaphore_mem>> -> memref<1x!tpu.dma_semaphore, #tpu.memory_space<semaphore_mem>>
    %dma_start3A_53 = tpu.memref_squeeze %dma_start3A_52 : memref<1x!tpu.dma_semaphore, #tpu.memory_space<semaphore_mem>> -> memref<!tpu.dma_semaphore, #tpu.memory_space<semaphore_mem>>
    tpu.enqueue_indirect_dma source(%dma_start3A_51 : memref<1000000x32xf32, #tpu.memory_space<hbm>>) target(%dma_start3A_46 : memref<400x32xf32, #tpu.memory_space<vmem>>) offsets(%dma_start3A_48 : memref<400xi32, #tpu.memory_space<vmem>>) semaphore(%dma_start3A_53 : memref<!tpu.dma_semaphore, #tpu.memory_space<semaphore_mem>>)
    %scan3A = arith.constant 0 : i32
    %scan3A_54 = arith.constant 0 : i32
    %scan3A_55 = arith.constant 8 : i32
    %scan3A_56 = arith.addi %scan3A_54, %scan3A_55 : i32
    %scan3A_57 = arith.constant 1 : i32
    scf.for %scan3A_130 = %scan3A_54 to %scan3A_56 step %scan3A_57  : i32 {
      %mul3A_131 = arith.constant 8 : i32
      %mul3A_132 = arith.muli %scan3A_130, %mul3A_131 : i32
      %add3A_133 = arith.constant 0 : i32
      %add3A_134 = arith.addi %mul3A_132, %add3A_133 : i32
      %ge3A = arith.constant 4 : i32
      %ge3A_135 = arith.cmpi sge, %add3A_134, %ge3A : i32
      %convert_element_type3A = arith.extui %ge3A_135 : i1 to i32
      %cond3A = arith.constant 0 : i32
      %cond3A_136 = arith.cmpi ne, %convert_element_type3A, %cond3A : i32
      scf.if %cond3A_136 {
        %sub3A = arith.constant 4 : i32
        %sub3A_505 = arith.subi %add3A_134, %sub3A : i32
        %mul3A_506 = arith.constant 400 : i32
        %mul3A_507 = arith.muli %sub3A_505, %mul3A_506 : i32
        %add3A_508 = arith.addi %mul3A_2, %mul3A_507 : i32
        %dma_wait3A_509 = arith.constant 4 : i32
        %dma_wait3A_510 = arith.constant 4 : i32
        %dma_wait3A_511 = arith.constant 0 : i32
        %dma_wait3A_512 = arith.constant 0 : i32
        %dma_wait3A_513 = tpu.memref_slice %arg6[%dma_wait3A_509, %dma_wait3A_511, %dma_wait3A_512] : memref<8x400x32xf32, #tpu.memory_space<vmem>> -> memref<1x400x32xf32, #tpu.memory_space<vmem>>
        %dma_wait3A_514 = tpu.memref_squeeze %dma_wait3A_513 : memref<1x400x32xf32, #tpu.memory_space<vmem>> -> memref<400x32xf32, #tpu.memory_space<vmem>>
        %dma_wait3A_515 = arith.constant 0 : i32
        %dma_wait3A_516 = tpu.memref_slice %arg4[%add3A_508, %dma_wait3A_515] : memref<819200x32xf32, #tpu.memory_space<hbm>> -> memref<400x32xf32, #tpu.memory_space<hbm>>
        %dma_wait3A_517 = tpu.memref_slice %arg8[%dma_wait3A_510] : memref<8x!tpu.dma_semaphore, #tpu.memory_space<semaphore_mem>> -> memref<1x!tpu.dma_semaphore, #tpu.memory_space<semaphore_mem>>
        %dma_wait3A_518 = tpu.memref_squeeze %dma_wait3A_517 : memref<1x!tpu.dma_semaphore, #tpu.memory_space<semaphore_mem>> -> memref<!tpu.dma_semaphore, #tpu.memory_space<semaphore_mem>>
        %dma_wait3A_519 = arith.constant 0 : i32
        %dma_wait3A_520 = tpu.memref_slice %arg4[%add3A_508, %dma_wait3A_519] : memref<819200x32xf32, #tpu.memory_space<hbm>> -> memref<400x32xf32, #tpu.memory_space<hbm>>
        %dma_wait3A_521 = arith.constant 0 : i32
        %dma_wait3A_522 = arith.constant 0 : i32
        %dma_wait3A_523 = tpu.memref_slice %arg6[%dma_wait3A_509, %dma_wait3A_521, %dma_wait3A_522] : memref<8x400x32xf32, #tpu.memory_space<vmem>> -> memref<1x400x32xf32, #tpu.memory_space<vmem>>
        %dma_wait3A_524 = tpu.memref_squeeze %dma_wait3A_523 : memref<1x400x32xf32, #tpu.memory_space<vmem>> -> memref<400x32xf32, #tpu.memory_space<vmem>>
        tpu.wait_dma2 semaphore(%dma_wait3A_518 : memref<!tpu.dma_semaphore, #tpu.memory_space<semaphore_mem>>) src(%dma_wait3A_524 : memref<400x32xf32, #tpu.memory_space<vmem>>) dst(%dma_wait3A_520 : memref<400x32xf32, #tpu.memory_space<hbm>>)
      } else {
      }
      %add3A_137 = arith.constant 4 : i32
      %add3A_138 = arith.addi %add3A_134, %add3A_137 : i32
      %lt3A = arith.constant 64 : i32
      %lt3A_139 = arith.cmpi slt, %add3A_138, %lt3A : i32
      %convert_element_type3A_140 = arith.extui %lt3A_139 : i1 to i32
      %cond3A_141 = arith.constant 0 : i32
      %cond3A_142 = arith.cmpi ne, %convert_element_type3A_140, %cond3A_141 : i32
      scf.if %cond3A_142 {
        %add3A_505 = arith.constant 4 : i32
        %add3A_506 = arith.addi %add3A_134, %add3A_505 : i32
        %mul3A_507 = arith.constant 400 : i32
        %mul3A_508 = arith.muli %add3A_506, %mul3A_507 : i32
        %dma_start3A_509 = arith.constant 4 : i32
        %dma_start3A_510 = arith.constant 4 : i32
        %dma_start3A_511 = arith.constant 0 : i32
        %dma_start3A_512 = arith.constant 0 : i32
        %dma_start3A_513 = tpu.memref_slice %arg6[%dma_start3A_509, %dma_start3A_511, %dma_start3A_512] : memref<8x400x32xf32, #tpu.memory_space<vmem>> -> memref<1x400x32xf32, #tpu.memory_space<vmem>>
        %dma_start3A_514 = tpu.memref_squeeze %dma_start3A_513 : memref<1x400x32xf32, #tpu.memory_space<vmem>> -> memref<400x32xf32, #tpu.memory_space<vmem>>
        %dma_start3A_515 = tpu.memref_slice %arg5[%mul3A_508] : memref<25600xi32, #tpu.memory_space<vmem>> -> memref<400xi32, #tpu.memory_space<vmem>>
        %dma_start3A_516 = arith.constant 0 : i32
        %dma_start3A_517 = arith.constant 0 : i32
        %dma_start3A_518 = tpu.memref_slice %arg3[%dma_start3A_516, %dma_start3A_517] : memref<1000000x32xf32, #tpu.memory_space<hbm>> -> memref<1000000x32xf32, #tpu.memory_space<hbm>>
        %dma_start3A_519 = tpu.memref_slice %arg7[%dma_start3A_510] : memref<8x!tpu.dma_semaphore, #tpu.memory_space<semaphore_mem>> -> memref<1x!tpu.dma_semaphore, #tpu.memory_space<semaphore_mem>>
        %dma_start3A_520 = tpu.memref_squeeze %dma_start3A_519 : memref<1x!tpu.dma_semaphore, #tpu.memory_space<semaphore_mem>> -> memref<!tpu.dma_semaphore, #tpu.memory_space<semaphore_mem>>
        tpu.enqueue_indirect_dma source(%dma_start3A_518 : memref<1000000x32xf32, #tpu.memory_space<hbm>>) target(%dma_start3A_514 : memref<400x32xf32, #tpu.memory_space<vmem>>) offsets(%dma_start3A_515 : memref<400xi32, #tpu.memory_space<vmem>>) semaphore(%dma_start3A_520 : memref<!tpu.dma_semaphore, #tpu.memory_space<semaphore_mem>>)
      } else {
      }
      %mul3A_143 = arith.constant 400 : i32
      %mul3A_144 = arith.muli %add3A_134, %mul3A_143 : i32
      %dma_wait3A_145 = arith.constant 0 : i32
      %dma_wait3A_146 = arith.constant 0 : i32
      %dma_wait3A_147 = arith.constant 0 : i32
      %dma_wait3A_148 = arith.constant 0 : i32
      %dma_wait3A_149 = tpu.memref_slice %arg6[%dma_wait3A_145, %dma_wait3A_147, %dma_wait3A_148] : memref<8x400x32xf32, #tpu.memory_space<vmem>> -> memref<1x400x32xf32, #tpu.memory_space<vmem>>
      %dma_wait3A_150 = tpu.memref_squeeze %dma_wait3A_149 : memref<1x400x32xf32, #tpu.memory_space<vmem>> -> memref<400x32xf32, #tpu.memory_space<vmem>>
      %dma_wait3A_151 = tpu.memref_slice %arg5[%mul3A_144] : memref<25600xi32, #tpu.memory_space<vmem>> -> memref<400xi32, #tpu.memory_space<vmem>>
      %dma_wait3A_152 = arith.constant 0 : i32
      %dma_wait3A_153 = arith.constant 0 : i32
      %dma_wait3A_154 = tpu.memref_slice %arg3[%dma_wait3A_152, %dma_wait3A_153] : memref<1000000x32xf32, #tpu.memory_space<hbm>> -> memref<1000000x32xf32, #tpu.memory_space<hbm>>
      %dma_wait3A_155 = tpu.memref_slice %arg7[%dma_wait3A_146] : memref<8x!tpu.dma_semaphore, #tpu.memory_space<semaphore_mem>> -> memref<1x!tpu.dma_semaphore, #tpu.memory_space<semaphore_mem>>
      %dma_wait3A_156 = tpu.memref_squeeze %dma_wait3A_155 : memref<1x!tpu.dma_semaphore, #tpu.memory_space<semaphore_mem>> -> memref<!tpu.dma_semaphore, #tpu.memory_space<semaphore_mem>>
      tpu.wait_indirect_dma semaphore(%dma_wait3A_156 : memref<!tpu.dma_semaphore, #tpu.memory_space<semaphore_mem>>) src(%dma_wait3A_154 : memref<1000000x32xf32, #tpu.memory_space<hbm>>) dst(%dma_wait3A_150 : memref<400x32xf32, #tpu.memory_space<vmem>>)
      %mul3A_157 = arith.constant 400 : i32
      %mul3A_158 = arith.muli %add3A_134, %mul3A_157 : i32
      %add3A_159 = arith.addi %mul3A_2, %mul3A_158 : i32
      %dma_start3A_160 = arith.constant 0 : i32
      %dma_start3A_161 = arith.constant 0 : i32
      %dma_start3A_162 = arith.constant 0 : i32
      %dma_start3A_163 = arith.constant 0 : i32
      %dma_start3A_164 = tpu.memref_slice %arg6[%dma_start3A_160, %dma_start3A_162, %dma_start3A_163] : memref<8x400x32xf32, #tpu.memory_space<vmem>> -> memref<1x400x32xf32, #tpu.memory_space<vmem>>
      %dma_start3A_165 = tpu.memref_squeeze %dma_start3A_164 : memref<1x400x32xf32, #tpu.memory_space<vmem>> -> memref<400x32xf32, #tpu.memory_space<vmem>>
      %dma_start3A_166 = arith.constant 0 : i32
      %dma_start3A_167 = tpu.memref_slice %arg4[%add3A_159, %dma_start3A_166] : memref<819200x32xf32, #tpu.memory_space<hbm>> -> memref<400x32xf32, #tpu.memory_space<hbm>>
      %dma_start3A_168 = tpu.memref_slice %arg8[%dma_start3A_161] : memref<8x!tpu.dma_semaphore, #tpu.memory_space<semaphore_mem>> -> memref<1x!tpu.dma_semaphore, #tpu.memory_space<semaphore_mem>>
      %dma_start3A_169 = tpu.memref_squeeze %dma_start3A_168 : memref<1x!tpu.dma_semaphore, #tpu.memory_space<semaphore_mem>> -> memref<!tpu.dma_semaphore, #tpu.memory_space<semaphore_mem>>
      %dma_start3A_170 = arith.constant 0 : i32
      %dma_start3A_171 = tpu.memref_slice %arg4[%add3A_159, %dma_start3A_170] : memref<819200x32xf32, #tpu.memory_space<hbm>> -> memref<400x32xf32, #tpu.memory_space<hbm>>
      %dma_start3A_172 = arith.constant 0 : i32
      %dma_start3A_173 = arith.constant 0 : i32
      %dma_start3A_174 = tpu.memref_slice %arg6[%dma_start3A_160, %dma_start3A_172, %dma_start3A_173] : memref<8x400x32xf32, #tpu.memory_space<vmem>> -> memref<1x400x32xf32, #tpu.memory_space<vmem>>
      %dma_start3A_175 = tpu.memref_squeeze %dma_start3A_174 : memref<1x400x32xf32, #tpu.memory_space<vmem>> -> memref<400x32xf32, #tpu.memory_space<vmem>>
      tpu.enqueue_dma source(%dma_start3A_175 : memref<400x32xf32, #tpu.memory_space<vmem>>) target(%dma_start3A_171 : memref<400x32xf32, #tpu.memory_space<hbm>>) target_semaphore(%dma_start3A_169 : memref<!tpu.dma_semaphore, #tpu.memory_space<semaphore_mem>>)
      %add3A_176 = arith.constant 1 : i32
      %add3A_177 = arith.addi %mul3A_132, %add3A_176 : i32
      %ge3A_178 = arith.constant 4 : i32
      %ge3A_179 = arith.cmpi sge, %add3A_177, %ge3A_178 : i32
      %convert_element_type3A_180 = arith.extui %ge3A_179 : i1 to i32
      %cond3A_181 = arith.constant 0 : i32
      %cond3A_182 = arith.cmpi ne, %convert_element_type3A_180, %cond3A_181 : i32
      scf.if %cond3A_182 {
        %sub3A = arith.constant 4 : i32
        %sub3A_505 = arith.subi %add3A_177, %sub3A : i32
        %mul3A_506 = arith.constant 400 : i32
        %mul3A_507 = arith.muli %sub3A_505, %mul3A_506 : i32
        %add3A_508 = arith.addi %mul3A_2, %mul3A_507 : i32
        %dma_wait3A_509 = arith.constant 5 : i32
        %dma_wait3A_510 = arith.constant 5 : i32
        %dma_wait3A_511 = arith.constant 0 : i32
        %dma_wait3A_512 = arith.constant 0 : i32
        %dma_wait3A_513 = tpu.memref_slice %arg6[%dma_wait3A_509, %dma_wait3A_511, %dma_wait3A_512] : memref<8x400x32xf32, #tpu.memory_space<vmem>> -> memref<1x400x32xf32, #tpu.memory_space<vmem>>
        %dma_wait3A_514 = tpu.memref_squeeze %dma_wait3A_513 : memref<1x400x32xf32, #tpu.memory_space<vmem>> -> memref<400x32xf32, #tpu.memory_space<vmem>>
        %dma_wait3A_515 = arith.constant 0 : i32
        %dma_wait3A_516 = tpu.memref_slice %arg4[%add3A_508, %dma_wait3A_515] : memref<819200x32xf32, #tpu.memory_space<hbm>> -> memref<400x32xf32, #tpu.memory_space<hbm>>
        %dma_wait3A_517 = tpu.memref_slice %arg8[%dma_wait3A_510] : memref<8x!tpu.dma_semaphore, #tpu.memory_space<semaphore_mem>> -> memref<1x!tpu.dma_semaphore, #tpu.memory_space<semaphore_mem>>
        %dma_wait3A_518 = tpu.memref_squeeze %dma_wait3A_517 : memref<1x!tpu.dma_semaphore, #tpu.memory_space<semaphore_mem>> -> memref<!tpu.dma_semaphore, #tpu.memory_space<semaphore_mem>>
        %dma_wait3A_519 = arith.constant 0 : i32
        %dma_wait3A_520 = tpu.memref_slice %arg4[%add3A_508, %dma_wait3A_519] : memref<819200x32xf32, #tpu.memory_space<hbm>> -> memref<400x32xf32, #tpu.memory_space<hbm>>
        %dma_wait3A_521 = arith.constant 0 : i32
        %dma_wait3A_522 = arith.constant 0 : i32
        %dma_wait3A_523 = tpu.memref_slice %arg6[%dma_wait3A_509, %dma_wait3A_521, %dma_wait3A_522] : memref<8x400x32xf32, #tpu.memory_space<vmem>> -> memref<1x400x32xf32, #tpu.memory_space<vmem>>
        %dma_wait3A_524 = tpu.memref_squeeze %dma_wait3A_523 : memref<1x400x32xf32, #tpu.memory_space<vmem>> -> memref<400x32xf32, #tpu.memory_space<vmem>>
        tpu.wait_dma2 semaphore(%dma_wait3A_518 : memref<!tpu.dma_semaphore, #tpu.memory_space<semaphore_mem>>) src(%dma_wait3A_524 : memref<400x32xf32, #tpu.memory_space<vmem>>) dst(%dma_wait3A_520 : memref<400x32xf32, #tpu.memory_space<hbm>>)
      } else {
      }
      %add3A_183 = arith.constant 4 : i32
      %add3A_184 = arith.addi %add3A_177, %add3A_183 : i32
      %lt3A_185 = arith.constant 64 : i32
      %lt3A_186 = arith.cmpi slt, %add3A_184, %lt3A_185 : i32
      %convert_element_type3A_187 = arith.extui %lt3A_186 : i1 to i32
      %cond3A_188 = arith.constant 0 : i32
      %cond3A_189 = arith.cmpi ne, %convert_element_type3A_187, %cond3A_188 : i32
      scf.if %cond3A_189 {
        %add3A_505 = arith.constant 4 : i32
        %add3A_506 = arith.addi %add3A_177, %add3A_505 : i32
        %mul3A_507 = arith.constant 400 : i32
        %mul3A_508 = arith.muli %add3A_506, %mul3A_507 : i32
        %dma_start3A_509 = arith.constant 5 : i32
        %dma_start3A_510 = arith.constant 5 : i32
        %dma_start3A_511 = arith.constant 0 : i32
        %dma_start3A_512 = arith.constant 0 : i32
        %dma_start3A_513 = tpu.memref_slice %arg6[%dma_start3A_509, %dma_start3A_511, %dma_start3A_512] : memref<8x400x32xf32, #tpu.memory_space<vmem>> -> memref<1x400x32xf32, #tpu.memory_space<vmem>>
        %dma_start3A_514 = tpu.memref_squeeze %dma_start3A_513 : memref<1x400x32xf32, #tpu.memory_space<vmem>> -> memref<400x32xf32, #tpu.memory_space<vmem>>
        %dma_start3A_515 = tpu.memref_slice %arg5[%mul3A_508] : memref<25600xi32, #tpu.memory_space<vmem>> -> memref<400xi32, #tpu.memory_space<vmem>>
        %dma_start3A_516 = arith.constant 0 : i32
        %dma_start3A_517 = arith.constant 0 : i32
        %dma_start3A_518 = tpu.memref_slice %arg3[%dma_start3A_516, %dma_start3A_517] : memref<1000000x32xf32, #tpu.memory_space<hbm>> -> memref<1000000x32xf32, #tpu.memory_space<hbm>>
        %dma_start3A_519 = tpu.memref_slice %arg7[%dma_start3A_510] : memref<8x!tpu.dma_semaphore, #tpu.memory_space<semaphore_mem>> -> memref<1x!tpu.dma_semaphore, #tpu.memory_space<semaphore_mem>>
        %dma_start3A_520 = tpu.memref_squeeze %dma_start3A_519 : memref<1x!tpu.dma_semaphore, #tpu.memory_space<semaphore_mem>> -> memref<!tpu.dma_semaphore, #tpu.memory_space<semaphore_mem>>
        tpu.enqueue_indirect_dma source(%dma_start3A_518 : memref<1000000x32xf32, #tpu.memory_space<hbm>>) target(%dma_start3A_514 : memref<400x32xf32, #tpu.memory_space<vmem>>) offsets(%dma_start3A_515 : memref<400xi32, #tpu.memory_space<vmem>>) semaphore(%dma_start3A_520 : memref<!tpu.dma_semaphore, #tpu.memory_space<semaphore_mem>>)
      } else {
      }
      %mul3A_190 = arith.constant 400 : i32
      %mul3A_191 = arith.muli %add3A_177, %mul3A_190 : i32
      %dma_wait3A_192 = arith.constant 1 : i32
      %dma_wait3A_193 = arith.constant 1 : i32
      %dma_wait3A_194 = arith.constant 0 : i32
      %dma_wait3A_195 = arith.constant 0 : i32
      %dma_wait3A_196 = tpu.memref_slice %arg6[%dma_wait3A_192, %dma_wait3A_194, %dma_wait3A_195] : memref<8x400x32xf32, #tpu.memory_space<vmem>> -> memref<1x400x32xf32, #tpu.memory_space<vmem>>
      %dma_wait3A_197 = tpu.memref_squeeze %dma_wait3A_196 : memref<1x400x32xf32, #tpu.memory_space<vmem>> -> memref<400x32xf32, #tpu.memory_space<vmem>>
      %dma_wait3A_198 = tpu.memref_slice %arg5[%mul3A_191] : memref<25600xi32, #tpu.memory_space<vmem>> -> memref<400xi32, #tpu.memory_space<vmem>>
      %dma_wait3A_199 = arith.constant 0 : i32
      %dma_wait3A_200 = arith.constant 0 : i32
      %dma_wait3A_201 = tpu.memref_slice %arg3[%dma_wait3A_199, %dma_wait3A_200] : memref<1000000x32xf32, #tpu.memory_space<hbm>> -> memref<1000000x32xf32, #tpu.memory_space<hbm>>
      %dma_wait3A_202 = tpu.memref_slice %arg7[%dma_wait3A_193] : memref<8x!tpu.dma_semaphore, #tpu.memory_space<semaphore_mem>> -> memref<1x!tpu.dma_semaphore, #tpu.memory_space<semaphore_mem>>
      %dma_wait3A_203 = tpu.memref_squeeze %dma_wait3A_202 : memref<1x!tpu.dma_semaphore, #tpu.memory_space<semaphore_mem>> -> memref<!tpu.dma_semaphore, #tpu.memory_space<semaphore_mem>>
      tpu.wait_indirect_dma semaphore(%dma_wait3A_203 : memref<!tpu.dma_semaphore, #tpu.memory_space<semaphore_mem>>) src(%dma_wait3A_201 : memref<1000000x32xf32, #tpu.memory_space<hbm>>) dst(%dma_wait3A_197 : memref<400x32xf32, #tpu.memory_space<vmem>>)
      %mul3A_204 = arith.constant 400 : i32
      %mul3A_205 = arith.muli %add3A_177, %mul3A_204 : i32
      %add3A_206 = arith.addi %mul3A_2, %mul3A_205 : i32
      %dma_start3A_207 = arith.constant 1 : i32
      %dma_start3A_208 = arith.constant 1 : i32
      %dma_start3A_209 = arith.constant 0 : i32
      %dma_start3A_210 = arith.constant 0 : i32
      %dma_start3A_211 = tpu.memref_slice %arg6[%dma_start3A_207, %dma_start3A_209, %dma_start3A_210] : memref<8x400x32xf32, #tpu.memory_space<vmem>> -> memref<1x400x32xf32, #tpu.memory_space<vmem>>
      %dma_start3A_212 = tpu.memref_squeeze %dma_start3A_211 : memref<1x400x32xf32, #tpu.memory_space<vmem>> -> memref<400x32xf32, #tpu.memory_space<vmem>>
      %dma_start3A_213 = arith.constant 0 : i32
      %dma_start3A_214 = tpu.memref_slice %arg4[%add3A_206, %dma_start3A_213] : memref<819200x32xf32, #tpu.memory_space<hbm>> -> memref<400x32xf32, #tpu.memory_space<hbm>>
      %dma_start3A_215 = tpu.memref_slice %arg8[%dma_start3A_208] : memref<8x!tpu.dma_semaphore, #tpu.memory_space<semaphore_mem>> -> memref<1x!tpu.dma_semaphore, #tpu.memory_space<semaphore_mem>>
      %dma_start3A_216 = tpu.memref_squeeze %dma_start3A_215 : memref<1x!tpu.dma_semaphore, #tpu.memory_space<semaphore_mem>> -> memref<!tpu.dma_semaphore, #tpu.memory_space<semaphore_mem>>
      %dma_start3A_217 = arith.constant 0 : i32
      %dma_start3A_218 = tpu.memref_slice %arg4[%add3A_206, %dma_start3A_217] : memref<819200x32xf32, #tpu.memory_space<hbm>> -> memref<400x32xf32, #tpu.memory_space<hbm>>
      %dma_start3A_219 = arith.constant 0 : i32
      %dma_start3A_220 = arith.constant 0 : i32
      %dma_start3A_221 = tpu.memref_slice %arg6[%dma_start3A_207, %dma_start3A_219, %dma_start3A_220] : memref<8x400x32xf32, #tpu.memory_space<vmem>> -> memref<1x400x32xf32, #tpu.memory_space<vmem>>
      %dma_start3A_222 = tpu.memref_squeeze %dma_start3A_221 : memref<1x400x32xf32, #tpu.memory_space<vmem>> -> memref<400x32xf32, #tpu.memory_space<vmem>>
      tpu.enqueue_dma source(%dma_start3A_222 : memref<400x32xf32, #tpu.memory_space<vmem>>) target(%dma_start3A_218 : memref<400x32xf32, #tpu.memory_space<hbm>>) target_semaphore(%dma_start3A_216 : memref<!tpu.dma_semaphore, #tpu.memory_space<semaphore_mem>>)
      %add3A_223 = arith.constant 2 : i32
      %add3A_224 = arith.addi %mul3A_132, %add3A_223 : i32
      %ge3A_225 = arith.constant 4 : i32
      %ge3A_226 = arith.cmpi sge, %add3A_224, %ge3A_225 : i32
      %convert_element_type3A_227 = arith.extui %ge3A_226 : i1 to i32
      %cond3A_228 = arith.constant 0 : i32
      %cond3A_229 = arith.cmpi ne, %convert_element_type3A_227, %cond3A_228 : i32
      scf.if %cond3A_229 {
        %sub3A = arith.constant 4 : i32
        %sub3A_505 = arith.subi %add3A_224, %sub3A : i32
        %mul3A_506 = arith.constant 400 : i32
        %mul3A_507 = arith.muli %sub3A_505, %mul3A_506 : i32
        %add3A_508 = arith.addi %mul3A_2, %mul3A_507 : i32
        %dma_wait3A_509 = arith.constant 6 : i32
        %dma_wait3A_510 = arith.constant 6 : i32
        %dma_wait3A_511 = arith.constant 0 : i32
        %dma_wait3A_512 = arith.constant 0 : i32
        %dma_wait3A_513 = tpu.memref_slice %arg6[%dma_wait3A_509, %dma_wait3A_511, %dma_wait3A_512] : memref<8x400x32xf32, #tpu.memory_space<vmem>> -> memref<1x400x32xf32, #tpu.memory_space<vmem>>
        %dma_wait3A_514 = tpu.memref_squeeze %dma_wait3A_513 : memref<1x400x32xf32, #tpu.memory_space<vmem>> -> memref<400x32xf32, #tpu.memory_space<vmem>>
        %dma_wait3A_515 = arith.constant 0 : i32
        %dma_wait3A_516 = tpu.memref_slice %arg4[%add3A_508, %dma_wait3A_515] : memref<819200x32xf32, #tpu.memory_space<hbm>> -> memref<400x32xf32, #tpu.memory_space<hbm>>
        %dma_wait3A_517 = tpu.memref_slice %arg8[%dma_wait3A_510] : memref<8x!tpu.dma_semaphore, #tpu.memory_space<semaphore_mem>> -> memref<1x!tpu.dma_semaphore, #tpu.memory_space<semaphore_mem>>
        %dma_wait3A_518 = tpu.memref_squeeze %dma_wait3A_517 : memref<1x!tpu.dma_semaphore, #tpu.memory_space<semaphore_mem>> -> memref<!tpu.dma_semaphore, #tpu.memory_space<semaphore_mem>>
        %dma_wait3A_519 = arith.constant 0 : i32
        %dma_wait3A_520 = tpu.memref_slice %arg4[%add3A_508, %dma_wait3A_519] : memref<819200x32xf32, #tpu.memory_space<hbm>> -> memref<400x32xf32, #tpu.memory_space<hbm>>
        %dma_wait3A_521 = arith.constant 0 : i32
        %dma_wait3A_522 = arith.constant 0 : i32
        %dma_wait3A_523 = tpu.memref_slice %arg6[%dma_wait3A_509, %dma_wait3A_521, %dma_wait3A_522] : memref<8x400x32xf32, #tpu.memory_space<vmem>> -> memref<1x400x32xf32, #tpu.memory_space<vmem>>
        %dma_wait3A_524 = tpu.memref_squeeze %dma_wait3A_523 : memref<1x400x32xf32, #tpu.memory_space<vmem>> -> memref<400x32xf32, #tpu.memory_space<vmem>>
        tpu.wait_dma2 semaphore(%dma_wait3A_518 : memref<!tpu.dma_semaphore, #tpu.memory_space<semaphore_mem>>) src(%dma_wait3A_524 : memref<400x32xf32, #tpu.memory_space<vmem>>) dst(%dma_wait3A_520 : memref<400x32xf32, #tpu.memory_space<hbm>>)
      } else {
      }
      %add3A_230 = arith.constant 4 : i32
      %add3A_231 = arith.addi %add3A_224, %add3A_230 : i32
      %lt3A_232 = arith.constant 64 : i32
      %lt3A_233 = arith.cmpi slt, %add3A_231, %lt3A_232 : i32
      %convert_element_type3A_234 = arith.extui %lt3A_233 : i1 to i32
      %cond3A_235 = arith.constant 0 : i32
      %cond3A_236 = arith.cmpi ne, %convert_element_type3A_234, %cond3A_235 : i32
      scf.if %cond3A_236 {
        %add3A_505 = arith.constant 4 : i32
        %add3A_506 = arith.addi %add3A_224, %add3A_505 : i32
        %mul3A_507 = arith.constant 400 : i32
        %mul3A_508 = arith.muli %add3A_506, %mul3A_507 : i32
        %dma_start3A_509 = arith.constant 6 : i32
        %dma_start3A_510 = arith.constant 6 : i32
        %dma_start3A_511 = arith.constant 0 : i32
        %dma_start3A_512 = arith.constant 0 : i32
        %dma_start3A_513 = tpu.memref_slice %arg6[%dma_start3A_509, %dma_start3A_511, %dma_start3A_512] : memref<8x400x32xf32, #tpu.memory_space<vmem>> -> memref<1x400x32xf32, #tpu.memory_space<vmem>>
        %dma_start3A_514 = tpu.memref_squeeze %dma_start3A_513 : memref<1x400x32xf32, #tpu.memory_space<vmem>> -> memref<400x32xf32, #tpu.memory_space<vmem>>
        %dma_start3A_515 = tpu.memref_slice %arg5[%mul3A_508] : memref<25600xi32, #tpu.memory_space<vmem>> -> memref<400xi32, #tpu.memory_space<vmem>>
        %dma_start3A_516 = arith.constant 0 : i32
        %dma_start3A_517 = arith.constant 0 : i32
        %dma_start3A_518 = tpu.memref_slice %arg3[%dma_start3A_516, %dma_start3A_517] : memref<1000000x32xf32, #tpu.memory_space<hbm>> -> memref<1000000x32xf32, #tpu.memory_space<hbm>>
        %dma_start3A_519 = tpu.memref_slice %arg7[%dma_start3A_510] : memref<8x!tpu.dma_semaphore, #tpu.memory_space<semaphore_mem>> -> memref<1x!tpu.dma_semaphore, #tpu.memory_space<semaphore_mem>>
        %dma_start3A_520 = tpu.memref_squeeze %dma_start3A_519 : memref<1x!tpu.dma_semaphore, #tpu.memory_space<semaphore_mem>> -> memref<!tpu.dma_semaphore, #tpu.memory_space<semaphore_mem>>
        tpu.enqueue_indirect_dma source(%dma_start3A_518 : memref<1000000x32xf32, #tpu.memory_space<hbm>>) target(%dma_start3A_514 : memref<400x32xf32, #tpu.memory_space<vmem>>) offsets(%dma_start3A_515 : memref<400xi32, #tpu.memory_space<vmem>>) semaphore(%dma_start3A_520 : memref<!tpu.dma_semaphore, #tpu.memory_space<semaphore_mem>>)
      } else {
      }
      %mul3A_237 = arith.constant 400 : i32
      %mul3A_238 = arith.muli %add3A_224, %mul3A_237 : i32
      %dma_wait3A_239 = arith.constant 2 : i32
      %dma_wait3A_240 = arith.constant 2 : i32
      %dma_wait3A_241 = arith.constant 0 : i32
      %dma_wait3A_242 = arith.constant 0 : i32
      %dma_wait3A_243 = tpu.memref_slice %arg6[%dma_wait3A_239, %dma_wait3A_241, %dma_wait3A_242] : memref<8x400x32xf32, #tpu.memory_space<vmem>> -> memref<1x400x32xf32, #tpu.memory_space<vmem>>
      %dma_wait3A_244 = tpu.memref_squeeze %dma_wait3A_243 : memref<1x400x32xf32, #tpu.memory_space<vmem>> -> memref<400x32xf32, #tpu.memory_space<vmem>>
      %dma_wait3A_245 = tpu.memref_slice %arg5[%mul3A_238] : memref<25600xi32, #tpu.memory_space<vmem>> -> memref<400xi32, #tpu.memory_space<vmem>>
      %dma_wait3A_246 = arith.constant 0 : i32
      %dma_wait3A_247 = arith.constant 0 : i32
      %dma_wait3A_248 = tpu.memref_slice %arg3[%dma_wait3A_246, %dma_wait3A_247] : memref<1000000x32xf32, #tpu.memory_space<hbm>> -> memref<1000000x32xf32, #tpu.memory_space<hbm>>
      %dma_wait3A_249 = tpu.memref_slice %arg7[%dma_wait3A_240] : memref<8x!tpu.dma_semaphore, #tpu.memory_space<semaphore_mem>> -> memref<1x!tpu.dma_semaphore, #tpu.memory_space<semaphore_mem>>
      %dma_wait3A_250 = tpu.memref_squeeze %dma_wait3A_249 : memref<1x!tpu.dma_semaphore, #tpu.memory_space<semaphore_mem>> -> memref<!tpu.dma_semaphore, #tpu.memory_space<semaphore_mem>>
      tpu.wait_indirect_dma semaphore(%dma_wait3A_250 : memref<!tpu.dma_semaphore, #tpu.memory_space<semaphore_mem>>) src(%dma_wait3A_248 : memref<1000000x32xf32, #tpu.memory_space<hbm>>) dst(%dma_wait3A_244 : memref<400x32xf32, #tpu.memory_space<vmem>>)
      %mul3A_251 = arith.constant 400 : i32
      %mul3A_252 = arith.muli %add3A_224, %mul3A_251 : i32
      %add3A_253 = arith.addi %mul3A_2, %mul3A_252 : i32
      %dma_start3A_254 = arith.constant 2 : i32
      %dma_start3A_255 = arith.constant 2 : i32
      %dma_start3A_256 = arith.constant 0 : i32
      %dma_start3A_257 = arith.constant 0 : i32
      %dma_start3A_258 = tpu.memref_slice %arg6[%dma_start3A_254, %dma_start3A_256, %dma_start3A_257] : memref<8x400x32xf32, #tpu.memory_space<vmem>> -> memref<1x400x32xf32, #tpu.memory_space<vmem>>
      %dma_start3A_259 = tpu.memref_squeeze %dma_start3A_258 : memref<1x400x32xf32, #tpu.memory_space<vmem>> -> memref<400x32xf32, #tpu.memory_space<vmem>>
      %dma_start3A_260 = arith.constant 0 : i32
      %dma_start3A_261 = tpu.memref_slice %arg4[%add3A_253, %dma_start3A_260] : memref<819200x32xf32, #tpu.memory_space<hbm>> -> memref<400x32xf32, #tpu.memory_space<hbm>>
      %dma_start3A_262 = tpu.memref_slice %arg8[%dma_start3A_255] : memref<8x!tpu.dma_semaphore, #tpu.memory_space<semaphore_mem>> -> memref<1x!tpu.dma_semaphore, #tpu.memory_space<semaphore_mem>>
      %dma_start3A_263 = tpu.memref_squeeze %dma_start3A_262 : memref<1x!tpu.dma_semaphore, #tpu.memory_space<semaphore_mem>> -> memref<!tpu.dma_semaphore, #tpu.memory_space<semaphore_mem>>
      %dma_start3A_264 = arith.constant 0 : i32
      %dma_start3A_265 = tpu.memref_slice %arg4[%add3A_253, %dma_start3A_264] : memref<819200x32xf32, #tpu.memory_space<hbm>> -> memref<400x32xf32, #tpu.memory_space<hbm>>
      %dma_start3A_266 = arith.constant 0 : i32
      %dma_start3A_267 = arith.constant 0 : i32
      %dma_start3A_268 = tpu.memref_slice %arg6[%dma_start3A_254, %dma_start3A_266, %dma_start3A_267] : memref<8x400x32xf32, #tpu.memory_space<vmem>> -> memref<1x400x32xf32, #tpu.memory_space<vmem>>
      %dma_start3A_269 = tpu.memref_squeeze %dma_start3A_268 : memref<1x400x32xf32, #tpu.memory_space<vmem>> -> memref<400x32xf32, #tpu.memory_space<vmem>>
      tpu.enqueue_dma source(%dma_start3A_269 : memref<400x32xf32, #tpu.memory_space<vmem>>) target(%dma_start3A_265 : memref<400x32xf32, #tpu.memory_space<hbm>>) target_semaphore(%dma_start3A_263 : memref<!tpu.dma_semaphore, #tpu.memory_space<semaphore_mem>>)
      %add3A_270 = arith.constant 3 : i32
      %add3A_271 = arith.addi %mul3A_132, %add3A_270 : i32
      %ge3A_272 = arith.constant 4 : i32
      %ge3A_273 = arith.cmpi sge, %add3A_271, %ge3A_272 : i32
      %convert_element_type3A_274 = arith.extui %ge3A_273 : i1 to i32
      %cond3A_275 = arith.constant 0 : i32
      %cond3A_276 = arith.cmpi ne, %convert_element_type3A_274, %cond3A_275 : i32
      scf.if %cond3A_276 {
        %sub3A = arith.constant 4 : i32
        %sub3A_505 = arith.subi %add3A_271, %sub3A : i32
        %mul3A_506 = arith.constant 400 : i32
        %mul3A_507 = arith.muli %sub3A_505, %mul3A_506 : i32
        %add3A_508 = arith.addi %mul3A_2, %mul3A_507 : i32
        %dma_wait3A_509 = arith.constant 7 : i32
        %dma_wait3A_510 = arith.constant 7 : i32
        %dma_wait3A_511 = arith.constant 0 : i32
        %dma_wait3A_512 = arith.constant 0 : i32
        %dma_wait3A_513 = tpu.memref_slice %arg6[%dma_wait3A_509, %dma_wait3A_511, %dma_wait3A_512] : memref<8x400x32xf32, #tpu.memory_space<vmem>> -> memref<1x400x32xf32, #tpu.memory_space<vmem>>
        %dma_wait3A_514 = tpu.memref_squeeze %dma_wait3A_513 : memref<1x400x32xf32, #tpu.memory_space<vmem>> -> memref<400x32xf32, #tpu.memory_space<vmem>>
        %dma_wait3A_515 = arith.constant 0 : i32
        %dma_wait3A_516 = tpu.memref_slice %arg4[%add3A_508, %dma_wait3A_515] : memref<819200x32xf32, #tpu.memory_space<hbm>> -> memref<400x32xf32, #tpu.memory_space<hbm>>
        %dma_wait3A_517 = tpu.memref_slice %arg8[%dma_wait3A_510] : memref<8x!tpu.dma_semaphore, #tpu.memory_space<semaphore_mem>> -> memref<1x!tpu.dma_semaphore, #tpu.memory_space<semaphore_mem>>
        %dma_wait3A_518 = tpu.memref_squeeze %dma_wait3A_517 : memref<1x!tpu.dma_semaphore, #tpu.memory_space<semaphore_mem>> -> memref<!tpu.dma_semaphore, #tpu.memory_space<semaphore_mem>>
        %dma_wait3A_519 = arith.constant 0 : i32
        %dma_wait3A_520 = tpu.memref_slice %arg4[%add3A_508, %dma_wait3A_519] : memref<819200x32xf32, #tpu.memory_space<hbm>> -> memref<400x32xf32, #tpu.memory_space<hbm>>
        %dma_wait3A_521 = arith.constant 0 : i32
        %dma_wait3A_522 = arith.constant 0 : i32
        %dma_wait3A_523 = tpu.memref_slice %arg6[%dma_wait3A_509, %dma_wait3A_521, %dma_wait3A_522] : memref<8x400x32xf32, #tpu.memory_space<vmem>> -> memref<1x400x32xf32, #tpu.memory_space<vmem>>
        %dma_wait3A_524 = tpu.memref_squeeze %dma_wait3A_523 : memref<1x400x32xf32, #tpu.memory_space<vmem>> -> memref<400x32xf32, #tpu.memory_space<vmem>>
        tpu.wait_dma2 semaphore(%dma_wait3A_518 : memref<!tpu.dma_semaphore, #tpu.memory_space<semaphore_mem>>) src(%dma_wait3A_524 : memref<400x32xf32, #tpu.memory_space<vmem>>) dst(%dma_wait3A_520 : memref<400x32xf32, #tpu.memory_space<hbm>>)
      } else {
      }
      %add3A_277 = arith.constant 4 : i32
      %add3A_278 = arith.addi %add3A_271, %add3A_277 : i32
      %lt3A_279 = arith.constant 64 : i32
      %lt3A_280 = arith.cmpi slt, %add3A_278, %lt3A_279 : i32
      %convert_element_type3A_281 = arith.extui %lt3A_280 : i1 to i32
      %cond3A_282 = arith.constant 0 : i32
      %cond3A_283 = arith.cmpi ne, %convert_element_type3A_281, %cond3A_282 : i32
      scf.if %cond3A_283 {
        %add3A_505 = arith.constant 4 : i32
        %add3A_506 = arith.addi %add3A_271, %add3A_505 : i32
        %mul3A_507 = arith.constant 400 : i32
        %mul3A_508 = arith.muli %add3A_506, %mul3A_507 : i32
        %dma_start3A_509 = arith.constant 7 : i32
        %dma_start3A_510 = arith.constant 7 : i32
        %dma_start3A_511 = arith.constant 0 : i32
        %dma_start3A_512 = arith.constant 0 : i32
        %dma_start3A_513 = tpu.memref_slice %arg6[%dma_start3A_509, %dma_start3A_511, %dma_start3A_512] : memref<8x400x32xf32, #tpu.memory_space<vmem>> -> memref<1x400x32xf32, #tpu.memory_space<vmem>>
        %dma_start3A_514 = tpu.memref_squeeze %dma_start3A_513 : memref<1x400x32xf32, #tpu.memory_space<vmem>> -> memref<400x32xf32, #tpu.memory_space<vmem>>
        %dma_start3A_515 = tpu.memref_slice %arg5[%mul3A_508] : memref<25600xi32, #tpu.memory_space<vmem>> -> memref<400xi32, #tpu.memory_space<vmem>>
        %dma_start3A_516 = arith.constant 0 : i32
        %dma_start3A_517 = arith.constant 0 : i32
        %dma_start3A_518 = tpu.memref_slice %arg3[%dma_start3A_516, %dma_start3A_517] : memref<1000000x32xf32, #tpu.memory_space<hbm>> -> memref<1000000x32xf32, #tpu.memory_space<hbm>>
        %dma_start3A_519 = tpu.memref_slice %arg7[%dma_start3A_510] : memref<8x!tpu.dma_semaphore, #tpu.memory_space<semaphore_mem>> -> memref<1x!tpu.dma_semaphore, #tpu.memory_space<semaphore_mem>>
        %dma_start3A_520 = tpu.memref_squeeze %dma_start3A_519 : memref<1x!tpu.dma_semaphore, #tpu.memory_space<semaphore_mem>> -> memref<!tpu.dma_semaphore, #tpu.memory_space<semaphore_mem>>
        tpu.enqueue_indirect_dma source(%dma_start3A_518 : memref<1000000x32xf32, #tpu.memory_space<hbm>>) target(%dma_start3A_514 : memref<400x32xf32, #tpu.memory_space<vmem>>) offsets(%dma_start3A_515 : memref<400xi32, #tpu.memory_space<vmem>>) semaphore(%dma_start3A_520 : memref<!tpu.dma_semaphore, #tpu.memory_space<semaphore_mem>>)
      } else {
      }
      %mul3A_284 = arith.constant 400 : i32
      %mul3A_285 = arith.muli %add3A_271, %mul3A_284 : i32
      %dma_wait3A_286 = arith.constant 3 : i32
      %dma_wait3A_287 = arith.constant 3 : i32
      %dma_wait3A_288 = arith.constant 0 : i32
      %dma_wait3A_289 = arith.constant 0 : i32
      %dma_wait3A_290 = tpu.memref_slice %arg6[%dma_wait3A_286, %dma_wait3A_288, %dma_wait3A_289] : memref<8x400x32xf32, #tpu.memory_space<vmem>> -> memref<1x400x32xf32, #tpu.memory_space<vmem>>
      %dma_wait3A_291 = tpu.memref_squeeze %dma_wait3A_290 : memref<1x400x32xf32, #tpu.memory_space<vmem>> -> memref<400x32xf32, #tpu.memory_space<vmem>>
      %dma_wait3A_292 = tpu.memref_slice %arg5[%mul3A_285] : memref<25600xi32, #tpu.memory_space<vmem>> -> memref<400xi32, #tpu.memory_space<vmem>>
      %dma_wait3A_293 = arith.constant 0 : i32
      %dma_wait3A_294 = arith.constant 0 : i32
      %dma_wait3A_295 = tpu.memref_slice %arg3[%dma_wait3A_293, %dma_wait3A_294] : memref<1000000x32xf32, #tpu.memory_space<hbm>> -> memref<1000000x32xf32, #tpu.memory_space<hbm>>
      %dma_wait3A_296 = tpu.memref_slice %arg7[%dma_wait3A_287] : memref<8x!tpu.dma_semaphore, #tpu.memory_space<semaphore_mem>> -> memref<1x!tpu.dma_semaphore, #tpu.memory_space<semaphore_mem>>
      %dma_wait3A_297 = tpu.memref_squeeze %dma_wait3A_296 : memref<1x!tpu.dma_semaphore, #tpu.memory_space<semaphore_mem>> -> memref<!tpu.dma_semaphore, #tpu.memory_space<semaphore_mem>>
      tpu.wait_indirect_dma semaphore(%dma_wait3A_297 : memref<!tpu.dma_semaphore, #tpu.memory_space<semaphore_mem>>) src(%dma_wait3A_295 : memref<1000000x32xf32, #tpu.memory_space<hbm>>) dst(%dma_wait3A_291 : memref<400x32xf32, #tpu.memory_space<vmem>>)
      %mul3A_298 = arith.constant 400 : i32
      %mul3A_299 = arith.muli %add3A_271, %mul3A_298 : i32
      %add3A_300 = arith.addi %mul3A_2, %mul3A_299 : i32
      %dma_start3A_301 = arith.constant 3 : i32
      %dma_start3A_302 = arith.constant 3 : i32
      %dma_start3A_303 = arith.constant 0 : i32
      %dma_start3A_304 = arith.constant 0 : i32
      %dma_start3A_305 = tpu.memref_slice %arg6[%dma_start3A_301, %dma_start3A_303, %dma_start3A_304] : memref<8x400x32xf32, #tpu.memory_space<vmem>> -> memref<1x400x32xf32, #tpu.memory_space<vmem>>
      %dma_start3A_306 = tpu.memref_squeeze %dma_start3A_305 : memref<1x400x32xf32, #tpu.memory_space<vmem>> -> memref<400x32xf32, #tpu.memory_space<vmem>>
      %dma_start3A_307 = arith.constant 0 : i32
      %dma_start3A_308 = tpu.memref_slice %arg4[%add3A_300, %dma_start3A_307] : memref<819200x32xf32, #tpu.memory_space<hbm>> -> memref<400x32xf32, #tpu.memory_space<hbm>>
      %dma_start3A_309 = tpu.memref_slice %arg8[%dma_start3A_302] : memref<8x!tpu.dma_semaphore, #tpu.memory_space<semaphore_mem>> -> memref<1x!tpu.dma_semaphore, #tpu.memory_space<semaphore_mem>>
      %dma_start3A_310 = tpu.memref_squeeze %dma_start3A_309 : memref<1x!tpu.dma_semaphore, #tpu.memory_space<semaphore_mem>> -> memref<!tpu.dma_semaphore, #tpu.memory_space<semaphore_mem>>
      %dma_start3A_311 = arith.constant 0 : i32
      %dma_start3A_312 = tpu.memref_slice %arg4[%add3A_300, %dma_start3A_311] : memref<819200x32xf32, #tpu.memory_space<hbm>> -> memref<400x32xf32, #tpu.memory_space<hbm>>
      %dma_start3A_313 = arith.constant 0 : i32
      %dma_start3A_314 = arith.constant 0 : i32
      %dma_start3A_315 = tpu.memref_slice %arg6[%dma_start3A_301, %dma_start3A_313, %dma_start3A_314] : memref<8x400x32xf32, #tpu.memory_space<vmem>> -> memref<1x400x32xf32, #tpu.memory_space<vmem>>
      %dma_start3A_316 = tpu.memref_squeeze %dma_start3A_315 : memref<1x400x32xf32, #tpu.memory_space<vmem>> -> memref<400x32xf32, #tpu.memory_space<vmem>>
      tpu.enqueue_dma source(%dma_start3A_316 : memref<400x32xf32, #tpu.memory_space<vmem>>) target(%dma_start3A_312 : memref<400x32xf32, #tpu.memory_space<hbm>>) target_semaphore(%dma_start3A_310 : memref<!tpu.dma_semaphore, #tpu.memory_space<semaphore_mem>>)
      %add3A_317 = arith.constant 4 : i32
      %add3A_318 = arith.addi %mul3A_132, %add3A_317 : i32
      %ge3A_319 = arith.constant 4 : i32
      %ge3A_320 = arith.cmpi sge, %add3A_318, %ge3A_319 : i32
      %convert_element_type3A_321 = arith.extui %ge3A_320 : i1 to i32
      %cond3A_322 = arith.constant 0 : i32
      %cond3A_323 = arith.cmpi ne, %convert_element_type3A_321, %cond3A_322 : i32
      scf.if %cond3A_323 {
        %sub3A = arith.constant 4 : i32
        %sub3A_505 = arith.subi %add3A_318, %sub3A : i32
        %mul3A_506 = arith.constant 400 : i32
        %mul3A_507 = arith.muli %sub3A_505, %mul3A_506 : i32
        %add3A_508 = arith.addi %mul3A_2, %mul3A_507 : i32
        %dma_wait3A_509 = arith.constant 0 : i32
        %dma_wait3A_510 = arith.constant 0 : i32
        %dma_wait3A_511 = arith.constant 0 : i32
        %dma_wait3A_512 = arith.constant 0 : i32
        %dma_wait3A_513 = tpu.memref_slice %arg6[%dma_wait3A_509, %dma_wait3A_511, %dma_wait3A_512] : memref<8x400x32xf32, #tpu.memory_space<vmem>> -> memref<1x400x32xf32, #tpu.memory_space<vmem>>
        %dma_wait3A_514 = tpu.memref_squeeze %dma_wait3A_513 : memref<1x400x32xf32, #tpu.memory_space<vmem>> -> memref<400x32xf32, #tpu.memory_space<vmem>>
        %dma_wait3A_515 = arith.constant 0 : i32
        %dma_wait3A_516 = tpu.memref_slice %arg4[%add3A_508, %dma_wait3A_515] : memref<819200x32xf32, #tpu.memory_space<hbm>> -> memref<400x32xf32, #tpu.memory_space<hbm>>
        %dma_wait3A_517 = tpu.memref_slice %arg8[%dma_wait3A_510] : memref<8x!tpu.dma_semaphore, #tpu.memory_space<semaphore_mem>> -> memref<1x!tpu.dma_semaphore, #tpu.memory_space<semaphore_mem>>
        %dma_wait3A_518 = tpu.memref_squeeze %dma_wait3A_517 : memref<1x!tpu.dma_semaphore, #tpu.memory_space<semaphore_mem>> -> memref<!tpu.dma_semaphore, #tpu.memory_space<semaphore_mem>>
        %dma_wait3A_519 = arith.constant 0 : i32
        %dma_wait3A_520 = tpu.memref_slice %arg4[%add3A_508, %dma_wait3A_519] : memref<819200x32xf32, #tpu.memory_space<hbm>> -> memref<400x32xf32, #tpu.memory_space<hbm>>
        %dma_wait3A_521 = arith.constant 0 : i32
        %dma_wait3A_522 = arith.constant 0 : i32
        %dma_wait3A_523 = tpu.memref_slice %arg6[%dma_wait3A_509, %dma_wait3A_521, %dma_wait3A_522] : memref<8x400x32xf32, #tpu.memory_space<vmem>> -> memref<1x400x32xf32, #tpu.memory_space<vmem>>
        %dma_wait3A_524 = tpu.memref_squeeze %dma_wait3A_523 : memref<1x400x32xf32, #tpu.memory_space<vmem>> -> memref<400x32xf32, #tpu.memory_space<vmem>>
        tpu.wait_dma2 semaphore(%dma_wait3A_518 : memref<!tpu.dma_semaphore, #tpu.memory_space<semaphore_mem>>) src(%dma_wait3A_524 : memref<400x32xf32, #tpu.memory_space<vmem>>) dst(%dma_wait3A_520 : memref<400x32xf32, #tpu.memory_space<hbm>>)
      } else {
      }
      %add3A_324 = arith.constant 4 : i32
      %add3A_325 = arith.addi %add3A_318, %add3A_324 : i32
      %lt3A_326 = arith.constant 64 : i32
      %lt3A_327 = arith.cmpi slt, %add3A_325, %lt3A_326 : i32
      %convert_element_type3A_328 = arith.extui %lt3A_327 : i1 to i32
      %cond3A_329 = arith.constant 0 : i32
      %cond3A_330 = arith.cmpi ne, %convert_element_type3A_328, %cond3A_329 : i32
      scf.if %cond3A_330 {
        %add3A_505 = arith.constant 4 : i32
        %add3A_506 = arith.addi %add3A_318, %add3A_505 : i32
        %mul3A_507 = arith.constant 400 : i32
        %mul3A_508 = arith.muli %add3A_506, %mul3A_507 : i32
        %dma_start3A_509 = arith.constant 0 : i32
        %dma_start3A_510 = arith.constant 0 : i32
        %dma_start3A_511 = arith.constant 0 : i32
        %dma_start3A_512 = arith.constant 0 : i32
        %dma_start3A_513 = tpu.memref_slice %arg6[%dma_start3A_509, %dma_start3A_511, %dma_start3A_512] : memref<8x400x32xf32, #tpu.memory_space<vmem>> -> memref<1x400x32xf32, #tpu.memory_space<vmem>>
        %dma_start3A_514 = tpu.memref_squeeze %dma_start3A_513 : memref<1x400x32xf32, #tpu.memory_space<vmem>> -> memref<400x32xf32, #tpu.memory_space<vmem>>
        %dma_start3A_515 = tpu.memref_slice %arg5[%mul3A_508] : memref<25600xi32, #tpu.memory_space<vmem>> -> memref<400xi32, #tpu.memory_space<vmem>>
        %dma_start3A_516 = arith.constant 0 : i32
        %dma_start3A_517 = arith.constant 0 : i32
        %dma_start3A_518 = tpu.memref_slice %arg3[%dma_start3A_516, %dma_start3A_517] : memref<1000000x32xf32, #tpu.memory_space<hbm>> -> memref<1000000x32xf32, #tpu.memory_space<hbm>>
        %dma_start3A_519 = tpu.memref_slice %arg7[%dma_start3A_510] : memref<8x!tpu.dma_semaphore, #tpu.memory_space<semaphore_mem>> -> memref<1x!tpu.dma_semaphore, #tpu.memory_space<semaphore_mem>>
        %dma_start3A_520 = tpu.memref_squeeze %dma_start3A_519 : memref<1x!tpu.dma_semaphore, #tpu.memory_space<semaphore_mem>> -> memref<!tpu.dma_semaphore, #tpu.memory_space<semaphore_mem>>
        tpu.enqueue_indirect_dma source(%dma_start3A_518 : memref<1000000x32xf32, #tpu.memory_space<hbm>>) target(%dma_start3A_514 : memref<400x32xf32, #tpu.memory_space<vmem>>) offsets(%dma_start3A_515 : memref<400xi32, #tpu.memory_space<vmem>>) semaphore(%dma_start3A_520 : memref<!tpu.dma_semaphore, #tpu.memory_space<semaphore_mem>>)
      } else {
      }
      %mul3A_331 = arith.constant 400 : i32
      %mul3A_332 = arith.muli %add3A_318, %mul3A_331 : i32
      %dma_wait3A_333 = arith.constant 4 : i32
      %dma_wait3A_334 = arith.constant 4 : i32
      %dma_wait3A_335 = arith.constant 0 : i32
      %dma_wait3A_336 = arith.constant 0 : i32
      %dma_wait3A_337 = tpu.memref_slice %arg6[%dma_wait3A_333, %dma_wait3A_335, %dma_wait3A_336] : memref<8x400x32xf32, #tpu.memory_space<vmem>> -> memref<1x400x32xf32, #tpu.memory_space<vmem>>
      %dma_wait3A_338 = tpu.memref_squeeze %dma_wait3A_337 : memref<1x400x32xf32, #tpu.memory_space<vmem>> -> memref<400x32xf32, #tpu.memory_space<vmem>>
      %dma_wait3A_339 = tpu.memref_slice %arg5[%mul3A_332] : memref<25600xi32, #tpu.memory_space<vmem>> -> memref<400xi32, #tpu.memory_space<vmem>>
      %dma_wait3A_340 = arith.constant 0 : i32
      %dma_wait3A_341 = arith.constant 0 : i32
      %dma_wait3A_342 = tpu.memref_slice %arg3[%dma_wait3A_340, %dma_wait3A_341] : memref<1000000x32xf32, #tpu.memory_space<hbm>> -> memref<1000000x32xf32, #tpu.memory_space<hbm>>
      %dma_wait3A_343 = tpu.memref_slice %arg7[%dma_wait3A_334] : memref<8x!tpu.dma_semaphore, #tpu.memory_space<semaphore_mem>> -> memref<1x!tpu.dma_semaphore, #tpu.memory_space<semaphore_mem>>
      %dma_wait3A_344 = tpu.memref_squeeze %dma_wait3A_343 : memref<1x!tpu.dma_semaphore, #tpu.memory_space<semaphore_mem>> -> memref<!tpu.dma_semaphore, #tpu.memory_space<semaphore_mem>>
      tpu.wait_indirect_dma semaphore(%dma_wait3A_344 : memref<!tpu.dma_semaphore, #tpu.memory_space<semaphore_mem>>) src(%dma_wait3A_342 : memref<1000000x32xf32, #tpu.memory_space<hbm>>) dst(%dma_wait3A_338 : memref<400x32xf32, #tpu.memory_space<vmem>>)
      %mul3A_345 = arith.constant 400 : i32
      %mul3A_346 = arith.muli %add3A_318, %mul3A_345 : i32
      %add3A_347 = arith.addi %mul3A_2, %mul3A_346 : i32
      %dma_start3A_348 = arith.constant 4 : i32
      %dma_start3A_349 = arith.constant 4 : i32
      %dma_start3A_350 = arith.constant 0 : i32
      %dma_start3A_351 = arith.constant 0 : i32
      %dma_start3A_352 = tpu.memref_slice %arg6[%dma_start3A_348, %dma_start3A_350, %dma_start3A_351] : memref<8x400x32xf32, #tpu.memory_space<vmem>> -> memref<1x400x32xf32, #tpu.memory_space<vmem>>
      %dma_start3A_353 = tpu.memref_squeeze %dma_start3A_352 : memref<1x400x32xf32, #tpu.memory_space<vmem>> -> memref<400x32xf32, #tpu.memory_space<vmem>>
      %dma_start3A_354 = arith.constant 0 : i32
      %dma_start3A_355 = tpu.memref_slice %arg4[%add3A_347, %dma_start3A_354] : memref<819200x32xf32, #tpu.memory_space<hbm>> -> memref<400x32xf32, #tpu.memory_space<hbm>>
      %dma_start3A_356 = tpu.memref_slice %arg8[%dma_start3A_349] : memref<8x!tpu.dma_semaphore, #tpu.memory_space<semaphore_mem>> -> memref<1x!tpu.dma_semaphore, #tpu.memory_space<semaphore_mem>>
      %dma_start3A_357 = tpu.memref_squeeze %dma_start3A_356 : memref<1x!tpu.dma_semaphore, #tpu.memory_space<semaphore_mem>> -> memref<!tpu.dma_semaphore, #tpu.memory_space<semaphore_mem>>
      %dma_start3A_358 = arith.constant 0 : i32
      %dma_start3A_359 = tpu.memref_slice %arg4[%add3A_347, %dma_start3A_358] : memref<819200x32xf32, #tpu.memory_space<hbm>> -> memref<400x32xf32, #tpu.memory_space<hbm>>
      %dma_start3A_360 = arith.constant 0 : i32
      %dma_start3A_361 = arith.constant 0 : i32
      %dma_start3A_362 = tpu.memref_slice %arg6[%dma_start3A_348, %dma_start3A_360, %dma_start3A_361] : memref<8x400x32xf32, #tpu.memory_space<vmem>> -> memref<1x400x32xf32, #tpu.memory_space<vmem>>
      %dma_start3A_363 = tpu.memref_squeeze %dma_start3A_362 : memref<1x400x32xf32, #tpu.memory_space<vmem>> -> memref<400x32xf32, #tpu.memory_space<vmem>>
      tpu.enqueue_dma source(%dma_start3A_363 : memref<400x32xf32, #tpu.memory_space<vmem>>) target(%dma_start3A_359 : memref<400x32xf32, #tpu.memory_space<hbm>>) target_semaphore(%dma_start3A_357 : memref<!tpu.dma_semaphore, #tpu.memory_space<semaphore_mem>>)
      %add3A_364 = arith.constant 5 : i32
      %add3A_365 = arith.addi %mul3A_132, %add3A_364 : i32
      %ge3A_366 = arith.constant 4 : i32
      %ge3A_367 = arith.cmpi sge, %add3A_365, %ge3A_366 : i32
      %convert_element_type3A_368 = arith.extui %ge3A_367 : i1 to i32
      %cond3A_369 = arith.constant 0 : i32
      %cond3A_370 = arith.cmpi ne, %convert_element_type3A_368, %cond3A_369 : i32
      scf.if %cond3A_370 {
        %sub3A = arith.constant 4 : i32
        %sub3A_505 = arith.subi %add3A_365, %sub3A : i32
        %mul3A_506 = arith.constant 400 : i32
        %mul3A_507 = arith.muli %sub3A_505, %mul3A_506 : i32
        %add3A_508 = arith.addi %mul3A_2, %mul3A_507 : i32
        %dma_wait3A_509 = arith.constant 1 : i32
        %dma_wait3A_510 = arith.constant 1 : i32
        %dma_wait3A_511 = arith.constant 0 : i32
        %dma_wait3A_512 = arith.constant 0 : i32
        %dma_wait3A_513 = tpu.memref_slice %arg6[%dma_wait3A_509, %dma_wait3A_511, %dma_wait3A_512] : memref<8x400x32xf32, #tpu.memory_space<vmem>> -> memref<1x400x32xf32, #tpu.memory_space<vmem>>
        %dma_wait3A_514 = tpu.memref_squeeze %dma_wait3A_513 : memref<1x400x32xf32, #tpu.memory_space<vmem>> -> memref<400x32xf32, #tpu.memory_space<vmem>>
        %dma_wait3A_515 = arith.constant 0 : i32
        %dma_wait3A_516 = tpu.memref_slice %arg4[%add3A_508, %dma_wait3A_515] : memref<819200x32xf32, #tpu.memory_space<hbm>> -> memref<400x32xf32, #tpu.memory_space<hbm>>
        %dma_wait3A_517 = tpu.memref_slice %arg8[%dma_wait3A_510] : memref<8x!tpu.dma_semaphore, #tpu.memory_space<semaphore_mem>> -> memref<1x!tpu.dma_semaphore, #tpu.memory_space<semaphore_mem>>
        %dma_wait3A_518 = tpu.memref_squeeze %dma_wait3A_517 : memref<1x!tpu.dma_semaphore, #tpu.memory_space<semaphore_mem>> -> memref<!tpu.dma_semaphore, #tpu.memory_space<semaphore_mem>>
        %dma_wait3A_519 = arith.constant 0 : i32
        %dma_wait3A_520 = tpu.memref_slice %arg4[%add3A_508, %dma_wait3A_519] : memref<819200x32xf32, #tpu.memory_space<hbm>> -> memref<400x32xf32, #tpu.memory_space<hbm>>
        %dma_wait3A_521 = arith.constant 0 : i32
        %dma_wait3A_522 = arith.constant 0 : i32
        %dma_wait3A_523 = tpu.memref_slice %arg6[%dma_wait3A_509, %dma_wait3A_521, %dma_wait3A_522] : memref<8x400x32xf32, #tpu.memory_space<vmem>> -> memref<1x400x32xf32, #tpu.memory_space<vmem>>
        %dma_wait3A_524 = tpu.memref_squeeze %dma_wait3A_523 : memref<1x400x32xf32, #tpu.memory_space<vmem>> -> memref<400x32xf32, #tpu.memory_space<vmem>>
        tpu.wait_dma2 semaphore(%dma_wait3A_518 : memref<!tpu.dma_semaphore, #tpu.memory_space<semaphore_mem>>) src(%dma_wait3A_524 : memref<400x32xf32, #tpu.memory_space<vmem>>) dst(%dma_wait3A_520 : memref<400x32xf32, #tpu.memory_space<hbm>>)
      } else {
      }
      %add3A_371 = arith.constant 4 : i32
      %add3A_372 = arith.addi %add3A_365, %add3A_371 : i32
      %lt3A_373 = arith.constant 64 : i32
      %lt3A_374 = arith.cmpi slt, %add3A_372, %lt3A_373 : i32
      %convert_element_type3A_375 = arith.extui %lt3A_374 : i1 to i32
      %cond3A_376 = arith.constant 0 : i32
      %cond3A_377 = arith.cmpi ne, %convert_element_type3A_375, %cond3A_376 : i32
      scf.if %cond3A_377 {
        %add3A_505 = arith.constant 4 : i32
        %add3A_506 = arith.addi %add3A_365, %add3A_505 : i32
        %mul3A_507 = arith.constant 400 : i32
        %mul3A_508 = arith.muli %add3A_506, %mul3A_507 : i32
        %dma_start3A_509 = arith.constant 1 : i32
        %dma_start3A_510 = arith.constant 1 : i32
        %dma_start3A_511 = arith.constant 0 : i32
        %dma_start3A_512 = arith.constant 0 : i32
        %dma_start3A_513 = tpu.memref_slice %arg6[%dma_start3A_509, %dma_start3A_511, %dma_start3A_512] : memref<8x400x32xf32, #tpu.memory_space<vmem>> -> memref<1x400x32xf32, #tpu.memory_space<vmem>>
        %dma_start3A_514 = tpu.memref_squeeze %dma_start3A_513 : memref<1x400x32xf32, #tpu.memory_space<vmem>> -> memref<400x32xf32, #tpu.memory_space<vmem>>
        %dma_start3A_515 = tpu.memref_slice %arg5[%mul3A_508] : memref<25600xi32, #tpu.memory_space<vmem>> -> memref<400xi32, #tpu.memory_space<vmem>>
        %dma_start3A_516 = arith.constant 0 : i32
        %dma_start3A_517 = arith.constant 0 : i32
        %dma_start3A_518 = tpu.memref_slice %arg3[%dma_start3A_516, %dma_start3A_517] : memref<1000000x32xf32, #tpu.memory_space<hbm>> -> memref<1000000x32xf32, #tpu.memory_space<hbm>>
        %dma_start3A_519 = tpu.memref_slice %arg7[%dma_start3A_510] : memref<8x!tpu.dma_semaphore, #tpu.memory_space<semaphore_mem>> -> memref<1x!tpu.dma_semaphore, #tpu.memory_space<semaphore_mem>>
        %dma_start3A_520 = tpu.memref_squeeze %dma_start3A_519 : memref<1x!tpu.dma_semaphore, #tpu.memory_space<semaphore_mem>> -> memref<!tpu.dma_semaphore, #tpu.memory_space<semaphore_mem>>
        tpu.enqueue_indirect_dma source(%dma_start3A_518 : memref<1000000x32xf32, #tpu.memory_space<hbm>>) target(%dma_start3A_514 : memref<400x32xf32, #tpu.memory_space<vmem>>) offsets(%dma_start3A_515 : memref<400xi32, #tpu.memory_space<vmem>>) semaphore(%dma_start3A_520 : memref<!tpu.dma_semaphore, #tpu.memory_space<semaphore_mem>>)
      } else {
      }
      %mul3A_378 = arith.constant 400 : i32
      %mul3A_379 = arith.muli %add3A_365, %mul3A_378 : i32
      %dma_wait3A_380 = arith.constant 5 : i32
      %dma_wait3A_381 = arith.constant 5 : i32
      %dma_wait3A_382 = arith.constant 0 : i32
      %dma_wait3A_383 = arith.constant 0 : i32
      %dma_wait3A_384 = tpu.memref_slice %arg6[%dma_wait3A_380, %dma_wait3A_382, %dma_wait3A_383] : memref<8x400x32xf32, #tpu.memory_space<vmem>> -> memref<1x400x32xf32, #tpu.memory_space<vmem>>
      %dma_wait3A_385 = tpu.memref_squeeze %dma_wait3A_384 : memref<1x400x32xf32, #tpu.memory_space<vmem>> -> memref<400x32xf32, #tpu.memory_space<vmem>>
      %dma_wait3A_386 = tpu.memref_slice %arg5[%mul3A_379] : memref<25600xi32, #tpu.memory_space<vmem>> -> memref<400xi32, #tpu.memory_space<vmem>>
      %dma_wait3A_387 = arith.constant 0 : i32
      %dma_wait3A_388 = arith.constant 0 : i32
      %dma_wait3A_389 = tpu.memref_slice %arg3[%dma_wait3A_387, %dma_wait3A_388] : memref<1000000x32xf32, #tpu.memory_space<hbm>> -> memref<1000000x32xf32, #tpu.memory_space<hbm>>
      %dma_wait3A_390 = tpu.memref_slice %arg7[%dma_wait3A_381] : memref<8x!tpu.dma_semaphore, #tpu.memory_space<semaphore_mem>> -> memref<1x!tpu.dma_semaphore, #tpu.memory_space<semaphore_mem>>
      %dma_wait3A_391 = tpu.memref_squeeze %dma_wait3A_390 : memref<1x!tpu.dma_semaphore, #tpu.memory_space<semaphore_mem>> -> memref<!tpu.dma_semaphore, #tpu.memory_space<semaphore_mem>>
      tpu.wait_indirect_dma semaphore(%dma_wait3A_391 : memref<!tpu.dma_semaphore, #tpu.memory_space<semaphore_mem>>) src(%dma_wait3A_389 : memref<1000000x32xf32, #tpu.memory_space<hbm>>) dst(%dma_wait3A_385 : memref<400x32xf32, #tpu.memory_space<vmem>>)
      %mul3A_392 = arith.constant 400 : i32
      %mul3A_393 = arith.muli %add3A_365, %mul3A_392 : i32
      %add3A_394 = arith.addi %mul3A_2, %mul3A_393 : i32
      %dma_start3A_395 = arith.constant 5 : i32
      %dma_start3A_396 = arith.constant 5 : i32
      %dma_start3A_397 = arith.constant 0 : i32
      %dma_start3A_398 = arith.constant 0 : i32
      %dma_start3A_399 = tpu.memref_slice %arg6[%dma_start3A_395, %dma_start3A_397, %dma_start3A_398] : memref<8x400x32xf32, #tpu.memory_space<vmem>> -> memref<1x400x32xf32, #tpu.memory_space<vmem>>
      %dma_start3A_400 = tpu.memref_squeeze %dma_start3A_399 : memref<1x400x32xf32, #tpu.memory_space<vmem>> -> memref<400x32xf32, #tpu.memory_space<vmem>>
      %dma_start3A_401 = arith.constant 0 : i32
      %dma_start3A_402 = tpu.memref_slice %arg4[%add3A_394, %dma_start3A_401] : memref<819200x32xf32, #tpu.memory_space<hbm>> -> memref<400x32xf32, #tpu.memory_space<hbm>>
      %dma_start3A_403 = tpu.memref_slice %arg8[%dma_start3A_396] : memref<8x!tpu.dma_semaphore, #tpu.memory_space<semaphore_mem>> -> memref<1x!tpu.dma_semaphore, #tpu.memory_space<semaphore_mem>>
      %dma_start3A_404 = tpu.memref_squeeze %dma_start3A_403 : memref<1x!tpu.dma_semaphore, #tpu.memory_space<semaphore_mem>> -> memref<!tpu.dma_semaphore, #tpu.memory_space<semaphore_mem>>
      %dma_start3A_405 = arith.constant 0 : i32
      %dma_start3A_406 = tpu.memref_slice %arg4[%add3A_394, %dma_start3A_405] : memref<819200x32xf32, #tpu.memory_space<hbm>> -> memref<400x32xf32, #tpu.memory_space<hbm>>
      %dma_start3A_407 = arith.constant 0 : i32
      %dma_start3A_408 = arith.constant 0 : i32
      %dma_start3A_409 = tpu.memref_slice %arg6[%dma_start3A_395, %dma_start3A_407, %dma_start3A_408] : memref<8x400x32xf32, #tpu.memory_space<vmem>> -> memref<1x400x32xf32, #tpu.memory_space<vmem>>
      %dma_start3A_410 = tpu.memref_squeeze %dma_start3A_409 : memref<1x400x32xf32, #tpu.memory_space<vmem>> -> memref<400x32xf32, #tpu.memory_space<vmem>>
      tpu.enqueue_dma source(%dma_start3A_410 : memref<400x32xf32, #tpu.memory_space<vmem>>) target(%dma_start3A_406 : memref<400x32xf32, #tpu.memory_space<hbm>>) target_semaphore(%dma_start3A_404 : memref<!tpu.dma_semaphore, #tpu.memory_space<semaphore_mem>>)
      %add3A_411 = arith.constant 6 : i32
      %add3A_412 = arith.addi %mul3A_132, %add3A_411 : i32
      %ge3A_413 = arith.constant 4 : i32
      %ge3A_414 = arith.cmpi sge, %add3A_412, %ge3A_413 : i32
      %convert_element_type3A_415 = arith.extui %ge3A_414 : i1 to i32
      %cond3A_416 = arith.constant 0 : i32
      %cond3A_417 = arith.cmpi ne, %convert_element_type3A_415, %cond3A_416 : i32
      scf.if %cond3A_417 {
        %sub3A = arith.constant 4 : i32
        %sub3A_505 = arith.subi %add3A_412, %sub3A : i32
        %mul3A_506 = arith.constant 400 : i32
        %mul3A_507 = arith.muli %sub3A_505, %mul3A_506 : i32
        %add3A_508 = arith.addi %mul3A_2, %mul3A_507 : i32
        %dma_wait3A_509 = arith.constant 2 : i32
        %dma_wait3A_510 = arith.constant 2 : i32
        %dma_wait3A_511 = arith.constant 0 : i32
        %dma_wait3A_512 = arith.constant 0 : i32
        %dma_wait3A_513 = tpu.memref_slice %arg6[%dma_wait3A_509, %dma_wait3A_511, %dma_wait3A_512] : memref<8x400x32xf32, #tpu.memory_space<vmem>> -> memref<1x400x32xf32, #tpu.memory_space<vmem>>
        %dma_wait3A_514 = tpu.memref_squeeze %dma_wait3A_513 : memref<1x400x32xf32, #tpu.memory_space<vmem>> -> memref<400x32xf32, #tpu.memory_space<vmem>>
        %dma_wait3A_515 = arith.constant 0 : i32
        %dma_wait3A_516 = tpu.memref_slice %arg4[%add3A_508, %dma_wait3A_515] : memref<819200x32xf32, #tpu.memory_space<hbm>> -> memref<400x32xf32, #tpu.memory_space<hbm>>
        %dma_wait3A_517 = tpu.memref_slice %arg8[%dma_wait3A_510] : memref<8x!tpu.dma_semaphore, #tpu.memory_space<semaphore_mem>> -> memref<1x!tpu.dma_semaphore, #tpu.memory_space<semaphore_mem>>
        %dma_wait3A_518 = tpu.memref_squeeze %dma_wait3A_517 : memref<1x!tpu.dma_semaphore, #tpu.memory_space<semaphore_mem>> -> memref<!tpu.dma_semaphore, #tpu.memory_space<semaphore_mem>>
        %dma_wait3A_519 = arith.constant 0 : i32
        %dma_wait3A_520 = tpu.memref_slice %arg4[%add3A_508, %dma_wait3A_519] : memref<819200x32xf32, #tpu.memory_space<hbm>> -> memref<400x32xf32, #tpu.memory_space<hbm>>
        %dma_wait3A_521 = arith.constant 0 : i32
        %dma_wait3A_522 = arith.constant 0 : i32
        %dma_wait3A_523 = tpu.memref_slice %arg6[%dma_wait3A_509, %dma_wait3A_521, %dma_wait3A_522] : memref<8x400x32xf32, #tpu.memory_space<vmem>> -> memref<1x400x32xf32, #tpu.memory_space<vmem>>
        %dma_wait3A_524 = tpu.memref_squeeze %dma_wait3A_523 : memref<1x400x32xf32, #tpu.memory_space<vmem>> -> memref<400x32xf32, #tpu.memory_space<vmem>>
        tpu.wait_dma2 semaphore(%dma_wait3A_518 : memref<!tpu.dma_semaphore, #tpu.memory_space<semaphore_mem>>) src(%dma_wait3A_524 : memref<400x32xf32, #tpu.memory_space<vmem>>) dst(%dma_wait3A_520 : memref<400x32xf32, #tpu.memory_space<hbm>>)
      } else {
      }
      %add3A_418 = arith.constant 4 : i32
      %add3A_419 = arith.addi %add3A_412, %add3A_418 : i32
      %lt3A_420 = arith.constant 64 : i32
      %lt3A_421 = arith.cmpi slt, %add3A_419, %lt3A_420 : i32
      %convert_element_type3A_422 = arith.extui %lt3A_421 : i1 to i32
      %cond3A_423 = arith.constant 0 : i32
      %cond3A_424 = arith.cmpi ne, %convert_element_type3A_422, %cond3A_423 : i32
      scf.if %cond3A_424 {
        %add3A_505 = arith.constant 4 : i32
        %add3A_506 = arith.addi %add3A_412, %add3A_505 : i32
        %mul3A_507 = arith.constant 400 : i32
        %mul3A_508 = arith.muli %add3A_506, %mul3A_507 : i32
        %dma_start3A_509 = arith.constant 2 : i32
        %dma_start3A_510 = arith.constant 2 : i32
        %dma_start3A_511 = arith.constant 0 : i32
        %dma_start3A_512 = arith.constant 0 : i32
        %dma_start3A_513 = tpu.memref_slice %arg6[%dma_start3A_509, %dma_start3A_511, %dma_start3A_512] : memref<8x400x32xf32, #tpu.memory_space<vmem>> -> memref<1x400x32xf32, #tpu.memory_space<vmem>>
        %dma_start3A_514 = tpu.memref_squeeze %dma_start3A_513 : memref<1x400x32xf32, #tpu.memory_space<vmem>> -> memref<400x32xf32, #tpu.memory_space<vmem>>
        %dma_start3A_515 = tpu.memref_slice %arg5[%mul3A_508] : memref<25600xi32, #tpu.memory_space<vmem>> -> memref<400xi32, #tpu.memory_space<vmem>>
        %dma_start3A_516 = arith.constant 0 : i32
        %dma_start3A_517 = arith.constant 0 : i32
        %dma_start3A_518 = tpu.memref_slice %arg3[%dma_start3A_516, %dma_start3A_517] : memref<1000000x32xf32, #tpu.memory_space<hbm>> -> memref<1000000x32xf32, #tpu.memory_space<hbm>>
        %dma_start3A_519 = tpu.memref_slice %arg7[%dma_start3A_510] : memref<8x!tpu.dma_semaphore, #tpu.memory_space<semaphore_mem>> -> memref<1x!tpu.dma_semaphore, #tpu.memory_space<semaphore_mem>>
        %dma_start3A_520 = tpu.memref_squeeze %dma_start3A_519 : memref<1x!tpu.dma_semaphore, #tpu.memory_space<semaphore_mem>> -> memref<!tpu.dma_semaphore, #tpu.memory_space<semaphore_mem>>
        tpu.enqueue_indirect_dma source(%dma_start3A_518 : memref<1000000x32xf32, #tpu.memory_space<hbm>>) target(%dma_start3A_514 : memref<400x32xf32, #tpu.memory_space<vmem>>) offsets(%dma_start3A_515 : memref<400xi32, #tpu.memory_space<vmem>>) semaphore(%dma_start3A_520 : memref<!tpu.dma_semaphore, #tpu.memory_space<semaphore_mem>>)
      } else {
      }
      %mul3A_425 = arith.constant 400 : i32
      %mul3A_426 = arith.muli %add3A_412, %mul3A_425 : i32
      %dma_wait3A_427 = arith.constant 6 : i32
      %dma_wait3A_428 = arith.constant 6 : i32
      %dma_wait3A_429 = arith.constant 0 : i32
      %dma_wait3A_430 = arith.constant 0 : i32
      %dma_wait3A_431 = tpu.memref_slice %arg6[%dma_wait3A_427, %dma_wait3A_429, %dma_wait3A_430] : memref<8x400x32xf32, #tpu.memory_space<vmem>> -> memref<1x400x32xf32, #tpu.memory_space<vmem>>
      %dma_wait3A_432 = tpu.memref_squeeze %dma_wait3A_431 : memref<1x400x32xf32, #tpu.memory_space<vmem>> -> memref<400x32xf32, #tpu.memory_space<vmem>>
      %dma_wait3A_433 = tpu.memref_slice %arg5[%mul3A_426] : memref<25600xi32, #tpu.memory_space<vmem>> -> memref<400xi32, #tpu.memory_space<vmem>>
      %dma_wait3A_434 = arith.constant 0 : i32
      %dma_wait3A_435 = arith.constant 0 : i32
      %dma_wait3A_436 = tpu.memref_slice %arg3[%dma_wait3A_434, %dma_wait3A_435] : memref<1000000x32xf32, #tpu.memory_space<hbm>> -> memref<1000000x32xf32, #tpu.memory_space<hbm>>
      %dma_wait3A_437 = tpu.memref_slice %arg7[%dma_wait3A_428] : memref<8x!tpu.dma_semaphore, #tpu.memory_space<semaphore_mem>> -> memref<1x!tpu.dma_semaphore, #tpu.memory_space<semaphore_mem>>
      %dma_wait3A_438 = tpu.memref_squeeze %dma_wait3A_437 : memref<1x!tpu.dma_semaphore, #tpu.memory_space<semaphore_mem>> -> memref<!tpu.dma_semaphore, #tpu.memory_space<semaphore_mem>>
      tpu.wait_indirect_dma semaphore(%dma_wait3A_438 : memref<!tpu.dma_semaphore, #tpu.memory_space<semaphore_mem>>) src(%dma_wait3A_436 : memref<1000000x32xf32, #tpu.memory_space<hbm>>) dst(%dma_wait3A_432 : memref<400x32xf32, #tpu.memory_space<vmem>>)
      %mul3A_439 = arith.constant 400 : i32
      %mul3A_440 = arith.muli %add3A_412, %mul3A_439 : i32
      %add3A_441 = arith.addi %mul3A_2, %mul3A_440 : i32
      %dma_start3A_442 = arith.constant 6 : i32
      %dma_start3A_443 = arith.constant 6 : i32
      %dma_start3A_444 = arith.constant 0 : i32
      %dma_start3A_445 = arith.constant 0 : i32
      %dma_start3A_446 = tpu.memref_slice %arg6[%dma_start3A_442, %dma_start3A_444, %dma_start3A_445] : memref<8x400x32xf32, #tpu.memory_space<vmem>> -> memref<1x400x32xf32, #tpu.memory_space<vmem>>
      %dma_start3A_447 = tpu.memref_squeeze %dma_start3A_446 : memref<1x400x32xf32, #tpu.memory_space<vmem>> -> memref<400x32xf32, #tpu.memory_space<vmem>>
      %dma_start3A_448 = arith.constant 0 : i32
      %dma_start3A_449 = tpu.memref_slice %arg4[%add3A_441, %dma_start3A_448] : memref<819200x32xf32, #tpu.memory_space<hbm>> -> memref<400x32xf32, #tpu.memory_space<hbm>>
      %dma_start3A_450 = tpu.memref_slice %arg8[%dma_start3A_443] : memref<8x!tpu.dma_semaphore, #tpu.memory_space<semaphore_mem>> -> memref<1x!tpu.dma_semaphore, #tpu.memory_space<semaphore_mem>>
      %dma_start3A_451 = tpu.memref_squeeze %dma_start3A_450 : memref<1x!tpu.dma_semaphore, #tpu.memory_space<semaphore_mem>> -> memref<!tpu.dma_semaphore, #tpu.memory_space<semaphore_mem>>
      %dma_start3A_452 = arith.constant 0 : i32
      %dma_start3A_453 = tpu.memref_slice %arg4[%add3A_441, %dma_start3A_452] : memref<819200x32xf32, #tpu.memory_space<hbm>> -> memref<400x32xf32, #tpu.memory_space<hbm>>
      %dma_start3A_454 = arith.constant 0 : i32
      %dma_start3A_455 = arith.constant 0 : i32
      %dma_start3A_456 = tpu.memref_slice %arg6[%dma_start3A_442, %dma_start3A_454, %dma_start3A_455] : memref<8x400x32xf32, #tpu.memory_space<vmem>> -> memref<1x400x32xf32, #tpu.memory_space<vmem>>
      %dma_start3A_457 = tpu.memref_squeeze %dma_start3A_456 : memref<1x400x32xf32, #tpu.memory_space<vmem>> -> memref<400x32xf32, #tpu.memory_space<vmem>>
      tpu.enqueue_dma source(%dma_start3A_457 : memref<400x32xf32, #tpu.memory_space<vmem>>) target(%dma_start3A_453 : memref<400x32xf32, #tpu.memory_space<hbm>>) target_semaphore(%dma_start3A_451 : memref<!tpu.dma_semaphore, #tpu.memory_space<semaphore_mem>>)
      %add3A_458 = arith.constant 7 : i32
      %add3A_459 = arith.addi %mul3A_132, %add3A_458 : i32
      %ge3A_460 = arith.constant 4 : i32
      %ge3A_461 = arith.cmpi sge, %add3A_459, %ge3A_460 : i32
      %convert_element_type3A_462 = arith.extui %ge3A_461 : i1 to i32
      %cond3A_463 = arith.constant 0 : i32
      %cond3A_464 = arith.cmpi ne, %convert_element_type3A_462, %cond3A_463 : i32
      scf.if %cond3A_464 {
        %sub3A = arith.constant 4 : i32
        %sub3A_505 = arith.subi %add3A_459, %sub3A : i32
        %mul3A_506 = arith.constant 400 : i32
        %mul3A_507 = arith.muli %sub3A_505, %mul3A_506 : i32
        %add3A_508 = arith.addi %mul3A_2, %mul3A_507 : i32
        %dma_wait3A_509 = arith.constant 3 : i32
        %dma_wait3A_510 = arith.constant 3 : i32
        %dma_wait3A_511 = arith.constant 0 : i32
        %dma_wait3A_512 = arith.constant 0 : i32
        %dma_wait3A_513 = tpu.memref_slice %arg6[%dma_wait3A_509, %dma_wait3A_511, %dma_wait3A_512] : memref<8x400x32xf32, #tpu.memory_space<vmem>> -> memref<1x400x32xf32, #tpu.memory_space<vmem>>
        %dma_wait3A_514 = tpu.memref_squeeze %dma_wait3A_513 : memref<1x400x32xf32, #tpu.memory_space<vmem>> -> memref<400x32xf32, #tpu.memory_space<vmem>>
        %dma_wait3A_515 = arith.constant 0 : i32
        %dma_wait3A_516 = tpu.memref_slice %arg4[%add3A_508, %dma_wait3A_515] : memref<819200x32xf32, #tpu.memory_space<hbm>> -> memref<400x32xf32, #tpu.memory_space<hbm>>
        %dma_wait3A_517 = tpu.memref_slice %arg8[%dma_wait3A_510] : memref<8x!tpu.dma_semaphore, #tpu.memory_space<semaphore_mem>> -> memref<1x!tpu.dma_semaphore, #tpu.memory_space<semaphore_mem>>
        %dma_wait3A_518 = tpu.memref_squeeze %dma_wait3A_517 : memref<1x!tpu.dma_semaphore, #tpu.memory_space<semaphore_mem>> -> memref<!tpu.dma_semaphore, #tpu.memory_space<semaphore_mem>>
        %dma_wait3A_519 = arith.constant 0 : i32
        %dma_wait3A_520 = tpu.memref_slice %arg4[%add3A_508, %dma_wait3A_519] : memref<819200x32xf32, #tpu.memory_space<hbm>> -> memref<400x32xf32, #tpu.memory_space<hbm>>
        %dma_wait3A_521 = arith.constant 0 : i32
        %dma_wait3A_522 = arith.constant 0 : i32
        %dma_wait3A_523 = tpu.memref_slice %arg6[%dma_wait3A_509, %dma_wait3A_521, %dma_wait3A_522] : memref<8x400x32xf32, #tpu.memory_space<vmem>> -> memref<1x400x32xf32, #tpu.memory_space<vmem>>
        %dma_wait3A_524 = tpu.memref_squeeze %dma_wait3A_523 : memref<1x400x32xf32, #tpu.memory_space<vmem>> -> memref<400x32xf32, #tpu.memory_space<vmem>>
        tpu.wait_dma2 semaphore(%dma_wait3A_518 : memref<!tpu.dma_semaphore, #tpu.memory_space<semaphore_mem>>) src(%dma_wait3A_524 : memref<400x32xf32, #tpu.memory_space<vmem>>) dst(%dma_wait3A_520 : memref<400x32xf32, #tpu.memory_space<hbm>>)
      } else {
      }
      %add3A_465 = arith.constant 4 : i32
      %add3A_466 = arith.addi %add3A_459, %add3A_465 : i32
      %lt3A_467 = arith.constant 64 : i32
      %lt3A_468 = arith.cmpi slt, %add3A_466, %lt3A_467 : i32
      %convert_element_type3A_469 = arith.extui %lt3A_468 : i1 to i32
      %cond3A_470 = arith.constant 0 : i32
      %cond3A_471 = arith.cmpi ne, %convert_element_type3A_469, %cond3A_470 : i32
      scf.if %cond3A_471 {
        %add3A_505 = arith.constant 4 : i32
        %add3A_506 = arith.addi %add3A_459, %add3A_505 : i32
        %mul3A_507 = arith.constant 400 : i32
        %mul3A_508 = arith.muli %add3A_506, %mul3A_507 : i32
        %dma_start3A_509 = arith.constant 3 : i32
        %dma_start3A_510 = arith.constant 3 : i32
        %dma_start3A_511 = arith.constant 0 : i32
        %dma_start3A_512 = arith.constant 0 : i32
        %dma_start3A_513 = tpu.memref_slice %arg6[%dma_start3A_509, %dma_start3A_511, %dma_start3A_512] : memref<8x400x32xf32, #tpu.memory_space<vmem>> -> memref<1x400x32xf32, #tpu.memory_space<vmem>>
        %dma_start3A_514 = tpu.memref_squeeze %dma_start3A_513 : memref<1x400x32xf32, #tpu.memory_space<vmem>> -> memref<400x32xf32, #tpu.memory_space<vmem>>
        %dma_start3A_515 = tpu.memref_slice %arg5[%mul3A_508] : memref<25600xi32, #tpu.memory_space<vmem>> -> memref<400xi32, #tpu.memory_space<vmem>>
        %dma_start3A_516 = arith.constant 0 : i32
        %dma_start3A_517 = arith.constant 0 : i32
        %dma_start3A_518 = tpu.memref_slice %arg3[%dma_start3A_516, %dma_start3A_517] : memref<1000000x32xf32, #tpu.memory_space<hbm>> -> memref<1000000x32xf32, #tpu.memory_space<hbm>>
        %dma_start3A_519 = tpu.memref_slice %arg7[%dma_start3A_510] : memref<8x!tpu.dma_semaphore, #tpu.memory_space<semaphore_mem>> -> memref<1x!tpu.dma_semaphore, #tpu.memory_space<semaphore_mem>>
        %dma_start3A_520 = tpu.memref_squeeze %dma_start3A_519 : memref<1x!tpu.dma_semaphore, #tpu.memory_space<semaphore_mem>> -> memref<!tpu.dma_semaphore, #tpu.memory_space<semaphore_mem>>
        tpu.enqueue_indirect_dma source(%dma_start3A_518 : memref<1000000x32xf32, #tpu.memory_space<hbm>>) target(%dma_start3A_514 : memref<400x32xf32, #tpu.memory_space<vmem>>) offsets(%dma_start3A_515 : memref<400xi32, #tpu.memory_space<vmem>>) semaphore(%dma_start3A_520 : memref<!tpu.dma_semaphore, #tpu.memory_space<semaphore_mem>>)
      } else {
      }
      %mul3A_472 = arith.constant 400 : i32
      %mul3A_473 = arith.muli %add3A_459, %mul3A_472 : i32
      %dma_wait3A_474 = arith.constant 7 : i32
      %dma_wait3A_475 = arith.constant 7 : i32
      %dma_wait3A_476 = arith.constant 0 : i32
      %dma_wait3A_477 = arith.constant 0 : i32
      %dma_wait3A_478 = tpu.memref_slice %arg6[%dma_wait3A_474, %dma_wait3A_476, %dma_wait3A_477] : memref<8x400x32xf32, #tpu.memory_space<vmem>> -> memref<1x400x32xf32, #tpu.memory_space<vmem>>
      %dma_wait3A_479 = tpu.memref_squeeze %dma_wait3A_478 : memref<1x400x32xf32, #tpu.memory_space<vmem>> -> memref<400x32xf32, #tpu.memory_space<vmem>>
      %dma_wait3A_480 = tpu.memref_slice %arg5[%mul3A_473] : memref<25600xi32, #tpu.memory_space<vmem>> -> memref<400xi32, #tpu.memory_space<vmem>>
      %dma_wait3A_481 = arith.constant 0 : i32
      %dma_wait3A_482 = arith.constant 0 : i32
      %dma_wait3A_483 = tpu.memref_slice %arg3[%dma_wait3A_481, %dma_wait3A_482] : memref<1000000x32xf32, #tpu.memory_space<hbm>> -> memref<1000000x32xf32, #tpu.memory_space<hbm>>
      %dma_wait3A_484 = tpu.memref_slice %arg7[%dma_wait3A_475] : memref<8x!tpu.dma_semaphore, #tpu.memory_space<semaphore_mem>> -> memref<1x!tpu.dma_semaphore, #tpu.memory_space<semaphore_mem>>
      %dma_wait3A_485 = tpu.memref_squeeze %dma_wait3A_484 : memref<1x!tpu.dma_semaphore, #tpu.memory_space<semaphore_mem>> -> memref<!tpu.dma_semaphore, #tpu.memory_space<semaphore_mem>>
      tpu.wait_indirect_dma semaphore(%dma_wait3A_485 : memref<!tpu.dma_semaphore, #tpu.memory_space<semaphore_mem>>) src(%dma_wait3A_483 : memref<1000000x32xf32, #tpu.memory_space<hbm>>) dst(%dma_wait3A_479 : memref<400x32xf32, #tpu.memory_space<vmem>>)
      %mul3A_486 = arith.constant 400 : i32
      %mul3A_487 = arith.muli %add3A_459, %mul3A_486 : i32
      %add3A_488 = arith.addi %mul3A_2, %mul3A_487 : i32
      %dma_start3A_489 = arith.constant 7 : i32
      %dma_start3A_490 = arith.constant 7 : i32
      %dma_start3A_491 = arith.constant 0 : i32
      %dma_start3A_492 = arith.constant 0 : i32
      %dma_start3A_493 = tpu.memref_slice %arg6[%dma_start3A_489, %dma_start3A_491, %dma_start3A_492] : memref<8x400x32xf32, #tpu.memory_space<vmem>> -> memref<1x400x32xf32, #tpu.memory_space<vmem>>
      %dma_start3A_494 = tpu.memref_squeeze %dma_start3A_493 : memref<1x400x32xf32, #tpu.memory_space<vmem>> -> memref<400x32xf32, #tpu.memory_space<vmem>>
      %dma_start3A_495 = arith.constant 0 : i32
      %dma_start3A_496 = tpu.memref_slice %arg4[%add3A_488, %dma_start3A_495] : memref<819200x32xf32, #tpu.memory_space<hbm>> -> memref<400x32xf32, #tpu.memory_space<hbm>>
      %dma_start3A_497 = tpu.memref_slice %arg8[%dma_start3A_490] : memref<8x!tpu.dma_semaphore, #tpu.memory_space<semaphore_mem>> -> memref<1x!tpu.dma_semaphore, #tpu.memory_space<semaphore_mem>>
      %dma_start3A_498 = tpu.memref_squeeze %dma_start3A_497 : memref<1x!tpu.dma_semaphore, #tpu.memory_space<semaphore_mem>> -> memref<!tpu.dma_semaphore, #tpu.memory_space<semaphore_mem>>
      %dma_start3A_499 = arith.constant 0 : i32
      %dma_start3A_500 = tpu.memref_slice %arg4[%add3A_488, %dma_start3A_499] : memref<819200x32xf32, #tpu.memory_space<hbm>> -> memref<400x32xf32, #tpu.memory_space<hbm>>
      %dma_start3A_501 = arith.constant 0 : i32
      %dma_start3A_502 = arith.constant 0 : i32
      %dma_start3A_503 = tpu.memref_slice %arg6[%dma_start3A_489, %dma_start3A_501, %dma_start3A_502] : memref<8x400x32xf32, #tpu.memory_space<vmem>> -> memref<1x400x32xf32, #tpu.memory_space<vmem>>
      %dma_start3A_504 = tpu.memref_squeeze %dma_start3A_503 : memref<1x400x32xf32, #tpu.memory_space<vmem>> -> memref<400x32xf32, #tpu.memory_space<vmem>>
      tpu.enqueue_dma source(%dma_start3A_504 : memref<400x32xf32, #tpu.memory_space<vmem>>) target(%dma_start3A_500 : memref<400x32xf32, #tpu.memory_space<hbm>>) target_semaphore(%dma_start3A_498 : memref<!tpu.dma_semaphore, #tpu.memory_space<semaphore_mem>>)
    }
    %scan3A_58 = arith.constant 8 : i32
    %add3A_59 = arith.constant 24000 : i32
    %add3A_60 = arith.addi %mul3A_2, %add3A_59 : i32
    %dma_wait3A = arith.constant 4 : i32
    %dma_wait3A_61 = arith.constant 4 : i32
    %dma_wait3A_62 = arith.constant 0 : i32
    %dma_wait3A_63 = arith.constant 0 : i32
    %dma_wait3A_64 = tpu.memref_slice %arg6[%dma_wait3A, %dma_wait3A_62, %dma_wait3A_63] : memref<8x400x32xf32, #tpu.memory_space<vmem>> -> memref<1x400x32xf32, #tpu.memory_space<vmem>>
    %dma_wait3A_65 = tpu.memref_squeeze %dma_wait3A_64 : memref<1x400x32xf32, #tpu.memory_space<vmem>> -> memref<400x32xf32, #tpu.memory_space<vmem>>
    %dma_wait3A_66 = arith.constant 0 : i32
    %dma_wait3A_67 = tpu.memref_slice %arg4[%add3A_60, %dma_wait3A_66] : memref<819200x32xf32, #tpu.memory_space<hbm>> -> memref<400x32xf32, #tpu.memory_space<hbm>>
    %dma_wait3A_68 = tpu.memref_slice %arg8[%dma_wait3A_61] : memref<8x!tpu.dma_semaphore, #tpu.memory_space<semaphore_mem>> -> memref<1x!tpu.dma_semaphore, #tpu.memory_space<semaphore_mem>>
    %dma_wait3A_69 = tpu.memref_squeeze %dma_wait3A_68 : memref<1x!tpu.dma_semaphore, #tpu.memory_space<semaphore_mem>> -> memref<!tpu.dma_semaphore, #tpu.memory_space<semaphore_mem>>
    %dma_wait3A_70 = arith.constant 0 : i32
    %dma_wait3A_71 = tpu.memref_slice %arg4[%add3A_60, %dma_wait3A_70] : memref<819200x32xf32, #tpu.memory_space<hbm>> -> memref<400x32xf32, #tpu.memory_space<hbm>>
    %dma_wait3A_72 = arith.constant 0 : i32
    %dma_wait3A_73 = arith.constant 0 : i32
    %dma_wait3A_74 = tpu.memref_slice %arg6[%dma_wait3A, %dma_wait3A_72, %dma_wait3A_73] : memref<8x400x32xf32, #tpu.memory_space<vmem>> -> memref<1x400x32xf32, #tpu.memory_space<vmem>>
    %dma_wait3A_75 = tpu.memref_squeeze %dma_wait3A_74 : memref<1x400x32xf32, #tpu.memory_space<vmem>> -> memref<400x32xf32, #tpu.memory_space<vmem>>
    tpu.wait_dma2 semaphore(%dma_wait3A_69 : memref<!tpu.dma_semaphore, #tpu.memory_space<semaphore_mem>>) src(%dma_wait3A_75 : memref<400x32xf32, #tpu.memory_space<vmem>>) dst(%dma_wait3A_71 : memref<400x32xf32, #tpu.memory_space<hbm>>)
    %add3A_76 = arith.constant 24400 : i32
    %add3A_77 = arith.addi %mul3A_2, %add3A_76 : i32
    %dma_wait3A_78 = arith.constant 5 : i32
    %dma_wait3A_79 = arith.constant 5 : i32
    %dma_wait3A_80 = arith.constant 0 : i32
    %dma_wait3A_81 = arith.constant 0 : i32
    %dma_wait3A_82 = tpu.memref_slice %arg6[%dma_wait3A_78, %dma_wait3A_80, %dma_wait3A_81] : memref<8x400x32xf32, #tpu.memory_space<vmem>> -> memref<1x400x32xf32, #tpu.memory_space<vmem>>
    %dma_wait3A_83 = tpu.memref_squeeze %dma_wait3A_82 : memref<1x400x32xf32, #tpu.memory_space<vmem>> -> memref<400x32xf32, #tpu.memory_space<vmem>>
    %dma_wait3A_84 = arith.constant 0 : i32
    %dma_wait3A_85 = tpu.memref_slice %arg4[%add3A_77, %dma_wait3A_84] : memref<819200x32xf32, #tpu.memory_space<hbm>> -> memref<400x32xf32, #tpu.memory_space<hbm>>
    %dma_wait3A_86 = tpu.memref_slice %arg8[%dma_wait3A_79] : memref<8x!tpu.dma_semaphore, #tpu.memory_space<semaphore_mem>> -> memref<1x!tpu.dma_semaphore, #tpu.memory_space<semaphore_mem>>
    %dma_wait3A_87 = tpu.memref_squeeze %dma_wait3A_86 : memref<1x!tpu.dma_semaphore, #tpu.memory_space<semaphore_mem>> -> memref<!tpu.dma_semaphore, #tpu.memory_space<semaphore_mem>>
    %dma_wait3A_88 = arith.constant 0 : i32
    %dma_wait3A_89 = tpu.memref_slice %arg4[%add3A_77, %dma_wait3A_88] : memref<819200x32xf32, #tpu.memory_space<hbm>> -> memref<400x32xf32, #tpu.memory_space<hbm>>
    %dma_wait3A_90 = arith.constant 0 : i32
    %dma_wait3A_91 = arith.constant 0 : i32
    %dma_wait3A_92 = tpu.memref_slice %arg6[%dma_wait3A_78, %dma_wait3A_90, %dma_wait3A_91] : memref<8x400x32xf32, #tpu.memory_space<vmem>> -> memref<1x400x32xf32, #tpu.memory_space<vmem>>
    %dma_wait3A_93 = tpu.memref_squeeze %dma_wait3A_92 : memref<1x400x32xf32, #tpu.memory_space<vmem>> -> memref<400x32xf32, #tpu.memory_space<vmem>>
    tpu.wait_dma2 semaphore(%dma_wait3A_87 : memref<!tpu.dma_semaphore, #tpu.memory_space<semaphore_mem>>) src(%dma_wait3A_93 : memref<400x32xf32, #tpu.memory_space<vmem>>) dst(%dma_wait3A_89 : memref<400x32xf32, #tpu.memory_space<hbm>>)
    %add3A_94 = arith.constant 24800 : i32
    %add3A_95 = arith.addi %mul3A_2, %add3A_94 : i32
    %dma_wait3A_96 = arith.constant 6 : i32
    %dma_wait3A_97 = arith.constant 6 : i32
    %dma_wait3A_98 = arith.constant 0 : i32
    %dma_wait3A_99 = arith.constant 0 : i32
    %dma_wait3A_100 = tpu.memref_slice %arg6[%dma_wait3A_96, %dma_wait3A_98, %dma_wait3A_99] : memref<8x400x32xf32, #tpu.memory_space<vmem>> -> memref<1x400x32xf32, #tpu.memory_space<vmem>>
    %dma_wait3A_101 = tpu.memref_squeeze %dma_wait3A_100 : memref<1x400x32xf32, #tpu.memory_space<vmem>> -> memref<400x32xf32, #tpu.memory_space<vmem>>
    %dma_wait3A_102 = arith.constant 0 : i32
    %dma_wait3A_103 = tpu.memref_slice %arg4[%add3A_95, %dma_wait3A_102] : memref<819200x32xf32, #tpu.memory_space<hbm>> -> memref<400x32xf32, #tpu.memory_space<hbm>>
    %dma_wait3A_104 = tpu.memref_slice %arg8[%dma_wait3A_97] : memref<8x!tpu.dma_semaphore, #tpu.memory_space<semaphore_mem>> -> memref<1x!tpu.dma_semaphore, #tpu.memory_space<semaphore_mem>>
    %dma_wait3A_105 = tpu.memref_squeeze %dma_wait3A_104 : memref<1x!tpu.dma_semaphore, #tpu.memory_space<semaphore_mem>> -> memref<!tpu.dma_semaphore, #tpu.memory_space<semaphore_mem>>
    %dma_wait3A_106 = arith.constant 0 : i32
    %dma_wait3A_107 = tpu.memref_slice %arg4[%add3A_95, %dma_wait3A_106] : memref<819200x32xf32, #tpu.memory_space<hbm>> -> memref<400x32xf32, #tpu.memory_space<hbm>>
    %dma_wait3A_108 = arith.constant 0 : i32
    %dma_wait3A_109 = arith.constant 0 : i32
    %dma_wait3A_110 = tpu.memref_slice %arg6[%dma_wait3A_96, %dma_wait3A_108, %dma_wait3A_109] : memref<8x400x32xf32, #tpu.memory_space<vmem>> -> memref<1x400x32xf32, #tpu.memory_space<vmem>>
    %dma_wait3A_111 = tpu.memref_squeeze %dma_wait3A_110 : memref<1x400x32xf32, #tpu.memory_space<vmem>> -> memref<400x32xf32, #tpu.memory_space<vmem>>
    tpu.wait_dma2 semaphore(%dma_wait3A_105 : memref<!tpu.dma_semaphore, #tpu.memory_space<semaphore_mem>>) src(%dma_wait3A_111 : memref<400x32xf32, #tpu.memory_space<vmem>>) dst(%dma_wait3A_107 : memref<400x32xf32, #tpu.memory_space<hbm>>)
    %add3A_112 = arith.constant 25200 : i32
    %add3A_113 = arith.addi %mul3A_2, %add3A_112 : i32
    %dma_wait3A_114 = arith.constant 7 : i32
    %dma_wait3A_115 = arith.constant 7 : i32
    %dma_wait3A_116 = arith.constant 0 : i32
    %dma_wait3A_117 = arith.constant 0 : i32
    %dma_wait3A_118 = tpu.memref_slice %arg6[%dma_wait3A_114, %dma_wait3A_116, %dma_wait3A_117] : memref<8x400x32xf32, #tpu.memory_space<vmem>> -> memref<1x400x32xf32, #tpu.memory_space<vmem>>
    %dma_wait3A_119 = tpu.memref_squeeze %dma_wait3A_118 : memref<1x400x32xf32, #tpu.memory_space<vmem>> -> memref<400x32xf32, #tpu.memory_space<vmem>>
    %dma_wait3A_120 = arith.constant 0 : i32
    %dma_wait3A_121 = tpu.memref_slice %arg4[%add3A_113, %dma_wait3A_120] : memref<819200x32xf32, #tpu.memory_space<hbm>> -> memref<400x32xf32, #tpu.memory_space<hbm>>
    %dma_wait3A_122 = tpu.memref_slice %arg8[%dma_wait3A_115] : memref<8x!tpu.dma_semaphore, #tpu.memory_space<semaphore_mem>> -> memref<1x!tpu.dma_semaphore, #tpu.memory_space<semaphore_mem>>
    %dma_wait3A_123 = tpu.memref_squeeze %dma_wait3A_122 : memref<1x!tpu.dma_semaphore, #tpu.memory_space<semaphore_mem>> -> memref<!tpu.dma_semaphore, #tpu.memory_space<semaphore_mem>>
    %dma_wait3A_124 = arith.constant 0 : i32
    %dma_wait3A_125 = tpu.memref_slice %arg4[%add3A_113, %dma_wait3A_124] : memref<819200x32xf32, #tpu.memory_space<hbm>> -> memref<400x32xf32, #tpu.memory_space<hbm>>
    %dma_wait3A_126 = arith.constant 0 : i32
    %dma_wait3A_127 = arith.constant 0 : i32
    %dma_wait3A_128 = tpu.memref_slice %arg6[%dma_wait3A_114, %dma_wait3A_126, %dma_wait3A_127] : memref<8x400x32xf32, #tpu.memory_space<vmem>> -> memref<1x400x32xf32, #tpu.memory_space<vmem>>
    %dma_wait3A_129 = tpu.memref_squeeze %dma_wait3A_128 : memref<1x400x32xf32, #tpu.memory_space<vmem>> -> memref<400x32xf32, #tpu.memory_space<vmem>>
    tpu.wait_dma2 semaphore(%dma_wait3A_123 : memref<!tpu.dma_semaphore, #tpu.memory_space<semaphore_mem>>) src(%dma_wait3A_129 : memref<400x32xf32, #tpu.memory_space<vmem>>) dst(%dma_wait3A_125 : memref<400x32xf32, #tpu.memory_space<hbm>>)
    return
  }
}

</mosaic_0001>

<sc_bundles>
// kernel: kernel.3.cloned.1.call-start
scs
__scs_entry_jumppad:
0x0: {  	(pc) =	sbr.rel $0x88, $3  }
0x1: {  	(tag) =	ssettag $0x0;
	lr =	simm.s32 $0x1  }
0x2: {  	[smem:$0x3F9F] =	sst lr;
	_ =	strace $0xD0000000  }
0x3: {  	_ = 	snop  }
0x4: {  	_ = 	snop  }
0x5: {  	_ = 	snop  }
0x6: {  	_ = 	snop  }
0x7: {  	_ = 	snop  }
__scs_overlays_trampoline_lowered:
0x8: {  	[smem:$0x3FAE] =	sst s0  }
0x9: {  	[smem:$0x3FAF] =	sst s1  }
0xa: {  	[smem:$0x3FB0] =	sst s2  }
0xb: {  	[smem:$0x3FB1] =	sst s3  }
0xc: {  	[smem:$0x3FB2] =	sst s4  }
0xd: {  	[smem:$0x3FB3] =	sst s5  }
0xe: {  	[smem:$0x3FB4] =	sst s6  }
0xf: {  	[smem:$0x3FB5] =	sst s7  }
0x10: {  	[smem:$0x3FB6] =	sst s8  }
0x11: {  	[smem:$0x3FB7] =	sst s9;
	s0 =	simm.s32 @!p0 $0x0  }
0x12: {  	s1 =	sld [smem:$0x3F9D];
	s0 =	simm.s32 @p0 $0x1  }
0x13: {  	[smem:$0x3FB8] =	sst s0;
	s0 =	simm.s32 @!p1 $0x0  }
0x14: {  	s2 =	sld [smem:$0x3F9C];
	s0 =	simm.s32 @p1 $0x1  }
0x15: {  	[smem:$0x3FB9] =	sst s0;
	s0 =	simm.s32 @!p2 $0x0  }
0x16: {  	s3 =	sld [smem:$0x3FDB];
	s0 =	simm.s32 @p2 $0x1  }
0x17: {  	s4 =	simm.s32 $0x1BF5;
	[smem:$0x3FBB] =	sst s0  }
0x18: {  	s0 =	sld [smem:$0x3F9E];
	_ =	swait.ge [sflag:s4], $0x0  }
0x19: {  	s7 =	sld [smem:$0x3F9F]  }
0x1a: {  	s8 =	sadd.s32 $0xFFFFE003, lr  }
0x1b: {  	s9 =	sadd.s32 $0xFFFFFEF7, lr;
	s5 =	simm.s32 $0xFFFFFFFF;
	p2 =	slt.u32 s8, $0xFFFFF086  }
0x1c: {  	p1 =	slt.u32 s9, $0xF7A;
	s5 =	simm.s32 @!p2 $0x0  }
0x1d: {  	s5 =	simm.s32 @p1 $0x1;
	p0 =	seq.s32 s7, s2  }
0x1e: {  	s7 =	smul.u32 @!p0 $0xF7A, s2;
	p2 =	seq.s32 @!p0 s5, $0x0  }
0x1f: {  	s9 =	smul.u32 $0xF7A, s1;
	s8 =	simm.s32 @!p0 $0x1BF5;
	p2 =	por !p2, p0  }
0x20: {  	[sflag:s8] =	ssyncset.s32 @!p0 $0xFFFFF086;
	s6 =	sadd.s32 @!p0 s3, s7;
	s7 =	simm.s32 @!p0 $0x108  }
0x21: {  	s3 =	sadd.s32 s3, s9;
	s6 =	sadd.s32 @!p0 $0x88, s6;
	s7 =	simm.s32 @p2 $0x1082  }
0x22: {  	[simem:s7], [sflag:s8] =	dma.local @!p0 [hbm:s6], $0xF7A  }
0x23: {  	s9 =	sor.u32 $0xD0000000, s2;
	s6 =	simm.s32 $0x108;
	_ =	swait.ge @!p0 [sflag:s8], $0x0  }
0x24: {  	s3 =	sadd.s32 $0x88, s3;
	s6 =	simm.s32 @!p1 $0x1082;
	[sflag:s4] =	ssyncset.s32 $0xFFFFF086  }
0x25: {  	[simem:s6], [sflag:s4] =	dma.local [hbm:s3], $0xF7A  }
0x26: {  	[smem:$0x3F9F] =	sst s1;
	(tag) =	ssettag s2;
	_ =	strace s9  }
0x27: {  	s1 =	sld [smem:$0x3FAF]  }
0x28: {  	s2 =	sld [smem:$0x3FB0]  }
0x29: {  	s4 =	sld [smem:$0x3FB2]  }
0x2a: {  	p0 =	seq.s32 s5, $0x0;
	s5 =	sld [smem:$0x3FB3]  }
0x2b: {  	s6 =	sld [smem:$0x3FB4]  }
0x2c: {  	s7 =	sld [smem:$0x3FB5]  }
0x2d: {  	s3 =	simm.s32 $0x108;
	s8 =	sld [smem:$0x3FB6]  }
0x2e: {  	s3 =	simm.s32 @!p0 $0x1082;
	s9 =	sld [smem:$0x3FB7]  }
0x2f: {  	lr =	sadd.s32 s0, s3;
	s0 =	sld [smem:$0x3FAE]  }
0x30: {  	s3 =	sld [smem:$0x3FB1]  }
0x31: {  	[smem:$0x3FBA] =	sst s10  }
0x32: {  	s10 =	sld [smem:$0x3FB8];
	_ =	sdelay $0x3  }
0x33: {  	p0 =	seq.s32 s10, $0x1;
	s10 =	sld [smem:$0x3FBA];
	_ =	sdelay $0x3  }
0x34: {  	[smem:$0x3FBA] =	sst s10  }
0x35: {  	s10 =	sld [smem:$0x3FB9];
	_ =	sdelay $0x3  }
0x36: {  	p1 =	seq.s32 s10, $0x1;
	s10 =	sld [smem:$0x3FBA];
	_ =	sdelay $0x3  }
0x37: {  	[smem:$0x3FBA] =	sst s10  }
0x38: {  	s10 =	sld [smem:$0x3FBB]  }
0x39: {  	_ = 	snop;
	(pc) =	sbr.ind lr, $3  }
0x3a: {  	_ = 	snop  }
0x3b: {  	_ = 	snop  }
0x3c: {  	p2 =	seq.s32 s10, $0x1;
	s10 =	sld [smem:$0x3FBA]  }
0x3d: {  	_ =	shalt  }
0x3e: {  	_ =	shalt  }
0x3f: {  	_ =	shalt  }
0x40: {  	_ =	shalt  }
0x41: {  	_ =	shalt  }
0x42: {  	_ =	shalt  }
0x43: {  	_ =	shalt  }
0x44: {  	_ =	shalt  }
0x45: {  	_ =	shalt  }
0x46: {  	_ =	shalt  }
0x47: {  	_ =	shalt  }
0x48: {  	_ =	shalt  }
0x49: {  	_ =	shalt  }
0x4a: {  	_ =	shalt  }
0x4b: {  	_ =	shalt  }
0x4c: {  	_ =	shalt  }
0x4d: {  	_ =	shalt  }
0x4e: {  	_ =	shalt  }
0x4f: {  	_ =	shalt  }
0x50: {  	_ =	shalt  }
0x51: {  	_ =	shalt  }
0x52: {  	_ =	shalt  }
0x53: {  	_ =	shalt  }
0x54: {  	_ =	shalt  }
0x55: {  	_ =	shalt  }
0x56: {  	_ =	shalt  }
0x57: {  	_ =	shalt  }
0x58: {  	_ =	shalt  }
0x59: {  	_ =	shalt  }
0x5a: {  	_ =	shalt  }
0x5b: {  	_ =	shalt  }
0x5c: {  	_ =	shalt  }
0x5d: {  	_ =	shalt  }
0x5e: {  	_ =	shalt  }
0x5f: {  	_ =	shalt  }
0x60: {  	_ =	shalt  }
0x61: {  	_ =	shalt  }
0x62: {  	_ =	shalt  }
0x63: {  	_ =	shalt  }
0x64: {  	_ =	shalt  }
0x65: {  	_ =	shalt  }
0x66: {  	_ =	shalt  }
0x67: {  	_ =	shalt  }
0x68: {  	_ =	shalt  }
0x69: {  	_ =	shalt  }
0x6a: {  	_ =	shalt  }
0x6b: {  	_ =	shalt  }
0x6c: {  	_ =	shalt  }
0x6d: {  	_ =	shalt  }
0x6e: {  	_ =	shalt  }
0x6f: {  	_ =	shalt  }
0x70: {  	_ =	shalt  }
0x71: {  	_ =	shalt  }
0x72: {  	_ =	shalt  }
0x73: {  	_ =	shalt  }
0x74: {  	_ =	shalt  }
0x75: {  	_ =	shalt  }
0x76: {  	_ =	shalt  }
0x77: {  	_ =	shalt  }
0x78: {  	_ =	shalt  }
0x79: {  	_ =	shalt  }
0x7a: {  	_ =	shalt  }
0x7b: {  	_ =	shalt  }
0x7c: {  	_ =	shalt  }
0x7d: {  	_ =	shalt  }
0x7e: {  	_ =	shalt  }
0x7f: {  	_ =	shalt  }
0x80: {  	_ =	shalt  }
0x81: {  	_ =	shalt  }
0x82: {  	_ =	shalt  }
0x83: {  	_ =	shalt  }
0x84: {  	_ =	shalt  }
0x85: {  	_ =	shalt  }
0x86: {  	_ =	shalt  }
0x87: {  	_ =	shalt  }
.Lfunc_end0:
.L_simem_size_0:
called_computation.1_lowered:
.L_overlay_start_0:
0x88: {  	s2 =	sld [smem:$0x3FD9]  }
0x89: {  	s3 =	sld [smem:$0x3FFE];
	_ =	sdelay $0x1  }
0x8a: {  	s1 =	srdreg.scid  }
0x8b: {  	s0 =	sand.u32 $0x1, s1  }
0x8c: {  	s17 =	sshll.u32 s0, $0xA;
	s2 =	sadd.s32 s3, s2  }
0x8d: {  	s2 =	sadd.s32 s2, s17  }
0x8e: {  	[smem:$0x3FC6] =	sst s2  }
0x8f: {  	_ = 	snop  }
0x90: {  	s2 =	sld [smem:$0x3FD0];
	(tm) =	ssettm $0x1  }
0x91: {  	s18 =	sld [smem:$0x3FFB];
	_ =	sdelay $0x3  }
0x92: {  	_ =	strace s18  }
0x93: {  	s3 =	sld [smem:$0x3FFC];
	_ =	sdelay $0x3  }
0x94: {  	_ =	strace s3  }
0x95: {  	s3 =	sld [smem:$0x3FFD];
	_ =	sdelay $0x3  }
0x96: {  	_ =	strace s3  }
0x97: {  	_ =	strace $0x8FFFFFFF  }
0x98: {  	s19 =	sld [smem:$0x3FDB];
	_ =	sdelay $0x1  }
0x99: {  	s4 =	simm.s32 $_scs_section_size  }
0x9a: {  	s5 =	simm.s32 $_size__tile_overlayer_lowered;
	s6 =	simm.s32 $_tile_overlayer_lowered  }
0x9b: {  	s22 =	simm.s32 $0x1BFF;
	s21 =	sshll.u32 s6, $0x1;
	s3 =	sadd.s32 s4, s19  }
0x9c: {  	s7 =	simm.s32 $0x0;
	s20 =	sshll.u32 s5, $0x1;
	s5 =	sadd.s32 s21, s3  }
0x9d: {  	[timem:s7], [sflag:s22] =	dma.local [hbm:s5], s20  }
0x9e: {  	_ =	swait.ge [sflag:s22], s20  }
0x9f: {  	s4 =	ssub.s32 $0x0, s20;
	[sflag:s22] =	ssyncset.done $0x0  }
0xa0: {  	[sflag:s22] =	ssyncadd.s32 s4;
	_ =	sdelay $0x1  }
0xa1: {  	s23 =	simm.s32 $0x1B8B  }
0xa2: {  	_ =	swait.ge [sflag:s23], $0x1  }
0xa3: {  	[sflag:s23] =	ssyncset.done $0x0  }
0xa4: {  	s25 =	simm.s32 $0x1B8E;
	s24 =	sld [smem:$0x3FFE];
	[sflag:s23] =	ssyncadd.s32 $0xFFFFFFFF  }
0xa5: {  	s26 =	simm.s32 $execute0_lowered;
	[smem:$0x3FD2] =	sst s25  }
0xa6: {  	s5 =	sshll.u32 s26, $0x1;
	_ =	strace $0x80000046;
	[dreg:$0x1] =	wrdreg $0xFFFFFFFF  }
0xa7: {  	s28 =	simm.s32 $_size_execute0_lowered;
	s3 =	sadd.s32 s3, s5;
	[dreg:$0x0] =	wrdreg $0x0  }
0xa8: {  	s5 =	sshll.u32 s28, $0x1;
	[dreg:$0x2] =	wrdreg s3  }
0xa9: {  	[dreg:$0x3] =	wrdreg s5  }
0xaa: {  	[dreg:$0x4] =	wrdreg $0xC0  }
0xab: {  	_ =	task [dreg:s7], $0x5FFFF  }
0xac: {  	[dreg:$0x1] =	wrdreg $0xFFFFFFFF  }
0xad: {  	[dreg:$0x0] =	wrdreg $0x60  }
0xae: {  	[dreg:$0x2] =	wrdreg s24  }
0xaf: {  	[dreg:$0x3] =	wrdreg s2  }
0xb0: {  	[dreg:$0x4] =	wrdreg $0x9  }
0xb1: {  	_ =	task.clear_ibuf [dreg:s7], $0x5FFFF;
	_ =	strace $0x90000046  }
0xb2: {  	s29 =	simm.s32 $0x9;
	_ =	strace $0x80000048  }
0xb3: {  	_ =	swait.ge [sflag:s29], $0x1  }
0xb4: {  	[sflag:s29] =	ssyncadd.s32 $0xFFFFFFFF  }
0xb5: {  	_ =	strace $0x90000048  }
0xb6: {  	_ =	sfence  }
0xb7: {  	s30 =	sld [smem:$0x0];
	_ =	sdelay $0x2  }
0xb8: {  	s31 =	sshll.u32 s1, $0xD;
	s1 =	sshrl.u32 s1, $0x2  }
0xb9: {  	s3 =	sand.u32 $0x4000, s31;
	s1 =	sadd.s32 s1, s30  }
0xba: {  	s0 =	sor.u32 s3, s0;
	s1 =	sshll.u32 s1, $0x11  }
0xbb: {  	s0 =	sor.u32 s1, s0  }
0xbc: {  	s0 =	sadd.s32 $0x8F2B, s0  }
0xbd: {  	[sflag:s0] =	ssyncadd.remote.s32 $0x1  }
0xbe: {  	_ =	sfence.sel $0xFFFF  }
0xbf: {  	[dreg:$0x0] =	wrdreg $0xFFFFFFFF;
	(pc) =	sbr.abs _section_cstart, $3  }
0xc0: {  	[dreg:$0x1] =	wrdreg $0xFFFFFFFF  }
0xc1: {  	_ =	task.clear_ibuf [dreg:s7], $0x2FFFF;
	_ =	strace $0x9FFFFFFF  }
0xc2: {  	(tm) =	ssettm $0x7FFFFFFF  }
0xc3: {  	_ =	shalt  }
tec
execute0_lowered:
.L_overlay_start_1:
0x0: {  	(tag) =	ssettag $0x1  }
0x1: {  	s0 =	srdreg.scid;
	s4 =	rddreg [dreg:$0x0]  }
0x2: {  	s7 =	stileid.u32;
	s6 =	rddreg [dreg:$0x1]  }
0x3: {  	s2 =	simm.s32 $0x0;
	s9 =	simm.s32 $0x9600;
	s11 =	simm.s32 $0xC800  }
0x4: {  	s13 =	simm.s32 $0xFA00;
	s14 =	simm.s32 $0x12C00;
	s15 =	simm.s32 $0x1  }
0x5: {  	s16 =	simm.s32 $0x15E00;
	s17 =	simm.s32 $0x2;
	s28 =	simm.s32 $0x7  }
0x6: {  	s29 =	simm.s32 $0xC;
	s0 =	sand.u32 $0x1, s0;
	s3 =	smul.u32 $0xC800, s7  }
0x7: {  	s30 =	simm.s32 $0x8;
	s1 =	sshll.u32 s7, $0x1;
	s5 =	smul.u32 $0x6400, s0  }
0x8: {  	s1 =	sor.u32 s0, s1;
	s8 =	smul.u32 $0x19000, s0;
	s0 =	ssub.s32 $0x2, s0  }
0x9: {  	[smem:$0x7FF] =	sst s2;
	s23 =	sshrl.u32 s0, $0x1;
	s3 =	sadd.s32 s5, s3  }
0xa: {  	s7 =	smul.u32 $0x32000, s7;
	s0 =	ssub.s32 s0, s23;
	s3 =	sshll.u32 s3, $0x2  }
0xb: {  	_ =	strace $0x80000047;
	s0 =	smax.u32 s0, $0x1;
	s18 =	sadd.s32 s6, s3  }
0xc: {  	s1 =	smul.u32 $0x6400, s1;
	[dreg:$0xc] =	wrdreg s0;
	s19 =	sadd.s32 $0x12C0, s18  }
0xd: {  	s23 =	simm.s32 $0x5;
	s20 =	sadd.s32 $0xC80, s18;
	[dreg:$0x3] =	wrdreg s19  }
0xe: {  	s6 =	sadd.s32 s7, s6;
	s21 =	sadd.s32 $0x640, s18;
	[dreg:$0x4] =	wrdreg s20  }
0xf: {  	s1 =	sshrl.u32 s1, $0x3;
	s22 =	sadd.s32 s8, s6;
	[dreg:$0x5] =	wrdreg s21  }
0x10: {  	s1 =	sadd.s32 s1, s4;
	s24 =	sadd.s32 $0x2BC0, s18;
	[dreg:$0x6] =	wrdreg s22  }
0x11: {  	s3 =	sadd.s32 $0xF42E00, s4;
	s1 =	sadd.s32 $0xA00, s1;
	[dreg:$0x7] =	wrdreg s24  }
0x12: {  	s7 =	simm.s32 $0x190;
	s25 =	sadd.s32 $0x2580, s18;
	[dreg:$0xb] =	wrdreg s1  }
0x13: {  	s4 =	simm.s32 $0x0;
	s26 =	sadd.s32 $0x1F40, s18;
	[dreg:$0x8] =	wrdreg s25  }
0x14: {  	s31 =	sadd.s32 $0x1900, s18;
	s8 =	simm.s32 $0x6400;
	[dreg:$0x9] =	wrdreg s26  }
0x15: {  	s18 =	simm.s32 $0x19000;
	[dreg:$0xa] =	wrdreg s31;
	s19 =	simm.s32 $0x3  }
0x16: {  	s20 =	simm.s32 $0x1C200;
	s21 =	simm.s32 $0x4;
	s22 =	simm.s32 $0x9  }
0x17: {  	s24 =	simm.s32 $0xA;
	s25 =	simm.s32 $0x6;
	s26 =	simm.s32 $0xB  }
.LBB2_1:
0x18: {  	[dreg:$0xd] =	wrdreg s4  }
0x19: {  	s0 =	rddreg [dreg:$0xb];
	s5 =	simm.s32 $0x11  }
0x1a: {  	[tilespmem:s2], [sflag:$0x11] =	stream.linear.gather [hbm4b:s0+s2], $0x6400, $0x38;
	[tilespmem:$0x1F400] =	vst v63  }
0x1b: {  	_ =	swait.ge [sflag:s5], $0x6400  }
0x1c: {  	[sflag:s5] =	ssyncset.done $0x0  }
0x1d: {  	[sflag:s5] =	ssyncadd.s32 $0xFFFF9C00  }
0x1e: {  	[tilespmem:s8], [sflag:$0x1] =	stream.indirect.gather [hbm4b:s3+s7], $0x20, s2, s7, $0xb8;
	[tilespmem:$0x1F400] =	vst v63  }
0x1f: {  	p0 =	por $0x1, $0x1  }
0x20: {  	[tilespmem:s9], [sflag:$0x2] =	stream.indirect.gather [hbm4b:s3+s7], $0x20, s7, s7, $0xb8;
	[tilespmem:$0x1F400] =	vst v63  }
0x21: {  	s6 =	simm.s32 $0x320;
	p0 =	por p0, p0  }
0x22: {  	[tilespmem:s11], [sflag:$0x3] =	stream.indirect.gather [hbm4b:s3+s7], $0x20, s6, s7, $0xb8;
	[tilespmem:$0x1F400] =	vst v63  }
0x23: {  	s10 =	simm.s32 $0x4B0;
	s4 =	simm.s32 @!p0 $0xD  }
0x24: {  	[tilespmem:s13], [sflag:$0x4] =	stream.indirect.gather [hbm4b:s3+s7], $0x20, s10, s7, $0xb8;
	[tilespmem:$0x1F400] =	vst v63  }
0x25: {  	_ =	swait.ge @!p0 [sflag:s4], $0x3200  }
0x26: {  	[sflag:s4] =	ssyncset.done @!p0 $0x0  }
0x27: {  	s12 =	simm.s32 $0x640;
	[sflag:s4] =	ssyncadd.s32 @!p0 $0xFFFFCE00  }
0x28: {  	[tilespmem:s14], [sflag:$0x5] =	stream.indirect.gather [hbm4b:s3+s7], $0x20, s12, s7, $0xb8;
	[tilespmem:$0x1F400] =	vst v63  }
0x29: {  	_ =	swait.ge [sflag:s15], $0x3200  }
0x2a: {  	s0 =	rddreg [dreg:$0x6];
	[sflag:s15] =	ssyncset.done $0x0  }
0x2b: {  	s5 =	simm.s32 @!p0 $0xE;
	[sflag:s15] =	ssyncadd.s32 $0xFFFFCE00;
	s4 =	sadd.s32 $0x0, s0  }
0x2c: {  	[hbm4b:s4+s2] =	stream.linear.scatter [tilespmem:s8], [sflag:$0x9], $0x3200, $0x38;
	[tilespmem:$0x1F400] =	vst v63  }
0x2d: {  	_ =	swait.ge @!p0 [sflag:s5], $0x3200  }
0x2e: {  	[sflag:s5] =	ssyncset.done @!p0 $0x0  }
0x2f: {  	s1 =	simm.s32 $0x7D0;
	[sflag:s5] =	ssyncadd.s32 @!p0 $0xFFFFCE00  }
0x30: {  	[tilespmem:s16], [sflag:$0x6] =	stream.indirect.gather [hbm4b:s3+s7], $0x20, s1, s7, $0xb8;
	[tilespmem:$0x1F400] =	vst v63  }
0x31: {  	_ =	swait.ge [sflag:s17], $0x3200  }
0x32: {  	s5 =	rddreg [dreg:$0x5];
	[sflag:s17] =	ssyncset.done $0x0  }
0x33: {  	[sflag:s17] =	ssyncadd.s32 $0xFFFFCE00;
	s4 =	sadd.s32 $0x0, s5;
	s5 =	simm.s32 @!p0 $0xF  }
0x34: {  	[hbm4b:s4+s2] =	stream.linear.scatter [tilespmem:s9], [sflag:$0xA], $0x3200, $0x38;
	[tilespmem:$0x1F400] =	vst v63  }
0x35: {  	_ =	swait.ge @!p0 [sflag:s5], $0x3200  }
0x36: {  	[sflag:s5] =	ssyncset.done @!p0 $0x0  }
0x37: {  	s6 =	simm.s32 $0x960;
	[sflag:s5] =	ssyncadd.s32 @!p0 $0xFFFFCE00  }
0x38: {  	[tilespmem:s18], [sflag:$0x7] =	stream.indirect.gather [hbm4b:s3+s7], $0x20, s6, s7, $0xb8;
	[tilespmem:$0x1F400] =	vst v63  }
0x39: {  	_ =	swait.ge [sflag:s19], $0x3200  }
0x3a: {  	s10 =	rddreg [dreg:$0x4];
	[sflag:s19] =	ssyncset.done $0x0  }
0x3b: {  	s5 =	simm.s32 @!p0 $0x10;
	[sflag:s19] =	ssyncadd.s32 $0xFFFFCE00;
	s4 =	sadd.s32 $0x0, s10  }
0x3c: {  	[hbm4b:s4+s2] =	stream.linear.scatter [tilespmem:s11], [sflag:$0xB], $0x3200, $0x38;
	[tilespmem:$0x1F400] =	vst v63  }
0x3d: {  	_ =	swait.ge @!p0 [sflag:s5], $0x3200  }
0x3e: {  	[sflag:s5] =	ssyncset.done @!p0 $0x0  }
0x3f: {  	s12 =	simm.s32 $0xAF0;
	[sflag:s5] =	ssyncadd.s32 @!p0 $0xFFFFCE00  }
0x40: {  	[tilespmem:s20], [sflag:$0x8] =	stream.indirect.gather [hbm4b:s3+s7], $0x20, s12, s7, $0xb8;
	[tilespmem:$0x1F400] =	vst v63  }
0x41: {  	_ =	swait.ge [sflag:s21], $0x3200  }
0x42: {  	s0 =	rddreg [dreg:$0x3];
	[sflag:s21] =	ssyncset.done $0x0  }
0x43: {  	[sflag:s21] =	ssyncadd.s32 $0xFFFFCE00;
	s4 =	sadd.s32 $0x0, s0  }
0x44: {  	[hbm4b:s4+s2] =	stream.linear.scatter [tilespmem:s13], [sflag:$0xC], $0x3200, $0x38;
	[tilespmem:$0x1F400] =	vst v63  }
0x45: {  	p0 =	por $0x0, $0x0;
	_ =	swait.ge [sflag:s22], $0x3200  }
0x46: {  	s5 =	simm.s32 @!p0 $0xC80;
	[sflag:s22] =	ssyncset.done $0x0  }
0x47: {  	s6 =	simm.s32 @!p0 $0x190;
	s4 =	simm.s32 @!p0 $0x6400;
	[sflag:s22] =	ssyncadd.s32 $0xFFFFCE00  }
0x48: {  	[tilespmem:s4], [sflag:$0x1] =	stream.indirect.gather @!p0 [hbm4b:s3+s6], $0x20, s5, s6, $0xb8;
	[tilespmem:$0x1F400] =	vst v63  }
0x49: {  	_ =	swait.ge [sflag:s23], $0x3200  }
0x4a: {  	s1 =	rddreg [dreg:$0xa];
	[sflag:s23] =	ssyncset.done $0x0  }
0x4b: {  	[sflag:s23] =	ssyncadd.s32 $0xFFFFCE00;
	s4 =	sadd.s32 $0x0, s1  }
0x4c: {  	[hbm4b:s4+s2] =	stream.linear.scatter [tilespmem:s14], [sflag:$0xD], $0x3200, $0x38;
	[tilespmem:$0x1F400] =	vst v63  }
0x4d: {  	_ =	swait.ge [sflag:s24], $0x3200  }
0x4e: {  	[sflag:s24] =	ssyncset.done $0x0  }
0x4f: {  	s5 =	simm.s32 @!p0 $0x9600;
	s4 =	simm.s32 @!p0 $0xE10;
	[sflag:s24] =	ssyncadd.s32 $0xFFFFCE00  }
0x50: {  	[tilespmem:s5], [sflag:$0x2] =	stream.indirect.gather @!p0 [hbm4b:s3+s6], $0x20, s4, s6, $0xb8;
	[tilespmem:$0x1F400] =	vst v63  }
0x51: {  	_ =	swait.ge [sflag:s25], $0x3200  }
0x52: {  	s5 =	rddreg [dreg:$0x9];
	[sflag:s25] =	ssyncset.done $0x0  }
0x53: {  	[sflag:s25] =	ssyncadd.s32 $0xFFFFCE00;
	s4 =	sadd.s32 $0x0, s5  }
0x54: {  	[hbm4b:s4+s2] =	stream.linear.scatter [tilespmem:s16], [sflag:$0xE], $0x3200, $0x38;
	[tilespmem:$0x1F400] =	vst v63  }
0x55: {  	_ =	swait.ge [sflag:s26], $0x3200  }
0x56: {  	[sflag:s26] =	ssyncset.done $0x0  }
0x57: {  	s5 =	simm.s32 @!p0 $0xC800;
	s4 =	simm.s32 @!p0 $0xFA0;
	[sflag:s26] =	ssyncadd.s32 $0xFFFFCE00  }
0x58: {  	[tilespmem:s5], [sflag:$0x3] =	stream.indirect.gather @!p0 [hbm4b:s3+s6], $0x20, s4, s6, $0xb8;
	[tilespmem:$0x1F400] =	vst v63  }
0x59: {  	_ =	swait.ge [sflag:s28], $0x3200  }
0x5a: {  	s10 =	rddreg [dreg:$0x8];
	[sflag:s28] =	ssyncset.done $0x0  }
0x5b: {  	[sflag:s28] =	ssyncadd.s32 $0xFFFFCE00;
	s4 =	sadd.s32 $0x0, s10  }
0x5c: {  	[hbm4b:s4+s2] =	stream.linear.scatter [tilespmem:s18], [sflag:$0xF], $0x3200, $0x38;
	[tilespmem:$0x1F400] =	vst v63  }
0x5d: {  	_ =	swait.ge [sflag:s29], $0x3200  }
0x5e: {  	[sflag:s29] =	ssyncset.done $0x0  }
0x5f: {  	s5 =	simm.s32 @!p0 $0xFA00;
	s4 =	simm.s32 @!p0 $0x1130;
	[sflag:s29] =	ssyncadd.s32 $0xFFFFCE00  }
0x60: {  	[tilespmem:s5], [sflag:$0x4] =	stream.indirect.gather @!p0 [hbm4b:s3+s6], $0x20, s4, s6, $0xb8;
	[tilespmem:$0x1F400] =	vst v63  }
0x61: {  	p6 =	por $0x0, $0x0;
	s4 =	simm.s32 $0x3200;
	_ =	swait.ge [sflag:s30], $0x3200  }
0x62: {  	s5 =	simm.s32 $0x6400;
	s12 =	rddreg [dreg:$0x7];
	[sflag:s30] =	ssyncset.done $0x0  }
0x63: {  	p0 =	por p6, p6;
	[sflag:s30] =	ssyncadd.s32 $0xFFFFCE00;
	s31 =	sadd.s32 $0x0, s12  }
.LBB2_2:
0x64: {  	[hbm4b:s31+s2] =	stream.linear.scatter [tilespmem:s20], [sflag:$0x10], $0x3200, $0x38;
	[tilespmem:$0x1F400] =	vst v63  }
0x65: {  	s1 =	simm.s32 @!p0 $0xD  }
0x66: {  	_ =	swait.ge @!p0 [sflag:s1], $0x3200  }
0x67: {  	s31 =	sshra.s32 s4, $0x2;
	[sflag:s1] =	ssyncset.done @!p0 $0x0  }
0x68: {  	s0 =	sadd.s32 $0x640, s31;
	[sflag:s1] =	ssyncadd.s32 @!p0 $0xFFFFCE00  }
0x69: {  	[tilespmem:s14], [sflag:$0x5] =	stream.indirect.gather [hbm4b:s3+s7], $0x20, s0, s7, $0xb8;
	[tilespmem:$0x1F400] =	vst v63  }
0x6a: {  	_ =	swait.ge [sflag:s15], $0x3200  }
0x6b: {  	s10 =	rddreg [dreg:$0x6];
	[sflag:s15] =	ssyncset.done $0x0  }
0x6c: {  	s0 =	simm.s32 @!p0 $0xE;
	[sflag:s15] =	ssyncadd.s32 $0xFFFFCE00;
	s1 =	sadd.s32 s4, s10  }
0x6d: {  	[hbm4b:s1+s2] =	stream.linear.scatter [tilespmem:s8], [sflag:$0x9], $0x3200, $0x38;
	[tilespmem:$0x1F400] =	vst v63  }
0x6e: {  	_ =	swait.ge @!p0 [sflag:s0], $0x3200  }
0x6f: {  	[sflag:s0] =	ssyncset.done @!p0 $0x0  }
0x70: {  	s12 =	sadd.s32 $0x7D0, s31;
	[sflag:s0] =	ssyncadd.s32 @!p0 $0xFFFFCE00  }
0x71: {  	[tilespmem:s16], [sflag:$0x6] =	stream.indirect.gather [hbm4b:s3+s7], $0x20, s12, s7, $0xb8;
	[tilespmem:$0x1F400] =	vst v63  }
0x72: {  	_ =	swait.ge [sflag:s17], $0x3200  }
0x73: {  	s1 =	rddreg [dreg:$0x5];
	[sflag:s17] =	ssyncset.done $0x0  }
0x74: {  	[sflag:s17] =	ssyncadd.s32 $0xFFFFCE00;
	s0 =	sadd.s32 s4, s1;
	s1 =	simm.s32 @!p0 $0xF  }
0x75: {  	[hbm4b:s0+s2] =	stream.linear.scatter [tilespmem:s9], [sflag:$0xA], $0x3200, $0x38;
	[tilespmem:$0x1F400] =	vst v63  }
0x76: {  	_ =	swait.ge @!p0 [sflag:s1], $0x3200  }
0x77: {  	[sflag:s1] =	ssyncset.done @!p0 $0x0  }
0x78: {  	s10 =	sadd.s32 $0x960, s31;
	[sflag:s1] =	ssyncadd.s32 @!p0 $0xFFFFCE00  }
0x79: {  	[tilespmem:s18], [sflag:$0x7] =	stream.indirect.gather [hbm4b:s3+s7], $0x20, s10, s7, $0xb8;
	[tilespmem:$0x1F400] =	vst v63  }
0x7a: {  	_ =	swait.ge [sflag:s19], $0x3200  }
0x7b: {  	s12 =	rddreg [dreg:$0x4];
	[sflag:s19] =	ssyncset.done $0x0  }
0x7c: {  	s1 =	simm.s32 @!p0 $0x10;
	[sflag:s19] =	ssyncadd.s32 $0xFFFFCE00;
	s0 =	sadd.s32 s4, s12  }
0x7d: {  	[hbm4b:s0+s2] =	stream.linear.scatter [tilespmem:s11], [sflag:$0xB], $0x3200, $0x38;
	[tilespmem:$0x1F400] =	vst v63  }
0x7e: {  	_ =	swait.ge @!p0 [sflag:s1], $0x3200  }
0x7f: {  	[sflag:s1] =	ssyncset.done @!p0 $0x0  }
0x80: {  	[sflag:s1] =	ssyncadd.s32 @!p0 $0xFFFFCE00;
	s1 =	sadd.s32 $0xAF0, s31  }
0x81: {  	[tilespmem:s20], [sflag:$0x8] =	stream.indirect.gather [hbm4b:s3+s7], $0x20, s1, s7, $0xb8;
	[tilespmem:$0x1F400] =	vst v63  }
0x82: {  	_ =	swait.ge [sflag:s21], $0x3200  }
0x83: {  	s6 =	smov.u32 s5;
	s10 =	rddreg [dreg:$0x3];
	[sflag:s21] =	ssyncset.done $0x0  }
0x84: {  	p2 =	seq.s32 s6, $0x0;
	[sflag:s21] =	ssyncadd.s32 $0xFFFFCE00;
	s0 =	sadd.s32 s4, s10  }
0x85: {  	[hbm4b:s0+s2] =	stream.linear.scatter [tilespmem:s13], [sflag:$0xC], $0x3200, $0x38;
	[tilespmem:$0x1F400] =	vst v63  }
0x86: {  	p0 =	por p2, p2;
	p2 =	seq.s32 s4, $0x15E00;
	_ =	swait.ge [sflag:s22], $0x3200  }
0x87: {  	s1 =	simm.s32 @!p2 $0x6400;
	s0 =	sshra.s32 @!p2 s4, $0x2;
	[sflag:s22] =	ssyncset.done $0x0  }
0x88: {  	s31 =	simm.s32 @!p2 $0x190;
	s10 =	sadd.s32 @!p2 $0xC80, s0;
	[sflag:s22] =	ssyncadd.s32 $0xFFFFCE00  }
0x89: {  	[tilespmem:s1], [sflag:$0x1] =	stream.indirect.gather @!p2 [hbm4b:s3+s31], $0x20, s10, s31, $0xb8;
	[tilespmem:$0x1F400] =	vst v63  }
0x8a: {  	_ =	swait.ge [sflag:s23], $0x3200  }
0x8b: {  	s12 =	rddreg [dreg:$0xa];
	[sflag:s23] =	ssyncset.done $0x0  }
0x8c: {  	[sflag:s23] =	ssyncadd.s32 $0xFFFFCE00;
	s12 =	sadd.s32 s4, s12  }
0x8d: {  	[hbm4b:s12+s2] =	stream.linear.scatter [tilespmem:s14], [sflag:$0xD], $0x3200, $0x38;
	[tilespmem:$0x1F400] =	vst v63  }
0x8e: {  	_ =	swait.ge [sflag:s24], $0x3200  }
0x8f: {  	[sflag:s24] =	ssyncset.done $0x0  }
0x90: {  	s1 =	sadd.s32 @!p2 $0xE10, s0;
	s12 =	simm.s32 @!p2 $0x9600;
	[sflag:s24] =	ssyncadd.s32 $0xFFFFCE00  }
0x91: {  	[tilespmem:s12], [sflag:$0x2] =	stream.indirect.gather @!p2 [hbm4b:s3+s31], $0x20, s1, s31, $0xb8;
	[tilespmem:$0x1F400] =	vst v63  }
0x92: {  	_ =	swait.ge [sflag:s25], $0x3200  }
0x93: {  	s12 =	rddreg [dreg:$0x9];
	[sflag:s25] =	ssyncset.done $0x0  }
0x94: {  	[sflag:s25] =	ssyncadd.s32 $0xFFFFCE00;
	s1 =	sadd.s32 s4, s12  }
0x95: {  	[hbm4b:s1+s2] =	stream.linear.scatter [tilespmem:s16], [sflag:$0xE], $0x3200, $0x38;
	[tilespmem:$0x1F400] =	vst v63  }
0x96: {  	_ =	swait.ge [sflag:s26], $0x3200  }
0x97: {  	[sflag:s26] =	ssyncset.done $0x0  }
0x98: {  	s10 =	sadd.s32 @!p2 $0xFA0, s0;
	s1 =	simm.s32 @!p2 $0xC800;
	[sflag:s26] =	ssyncadd.s32 $0xFFFFCE00  }
0x99: {  	[tilespmem:s1], [sflag:$0x3] =	stream.indirect.gather @!p2 [hbm4b:s3+s31], $0x20, s10, s31, $0xb8;
	[tilespmem:$0x1F400] =	vst v63  }
0x9a: {  	_ =	swait.ge [sflag:s28], $0x3200  }
0x9b: {  	s10 =	rddreg [dreg:$0x8];
	[sflag:s28] =	ssyncset.done $0x0  }
0x9c: {  	[sflag:s28] =	ssyncadd.s32 $0xFFFFCE00;
	s1 =	sadd.s32 s4, s10  }
0x9d: {  	[hbm4b:s1+s2] =	stream.linear.scatter [tilespmem:s18], [sflag:$0xF], $0x3200, $0x38;
	[tilespmem:$0x1F400] =	vst v63  }
0x9e: {  	s5 =	sadd.s32 $0x3200, s5;
	_ =	swait.ge [sflag:s29], $0x3200  }
0x9f: {  	p1 =	sne.s32 s5, $0x19000;
	s0 =	sadd.s32 @!p2 $0x1130, s0;
	[sflag:s29] =	ssyncset.done $0x0  }
.Ltmp0:
0xa0: {  	s1 =	simm.s32 @!p2 $0xFA00;
	[sflag:s29] =	ssyncadd.s32 $0xFFFFCE00;
	(pc) =	sbr.rel @p1 .LBB2_2-.Ltmp0, $4  }
0xa1: {  	[tilespmem:s1], [sflag:$0x4] =	stream.indirect.gather @!p2 [hbm4b:s3+s31], $0x20, s0, s31, $0xb8;
	[tilespmem:$0x1F400] =	vst v63  }
0xa2: {  	_ =	swait.ge [sflag:s30], $0x3200  }
0xa3: {  	[sflag:s30] =	ssyncset.done $0x0;
	s12 =	rddreg [dreg:$0x7]  }
0xa4: {  	[sflag:s30] =	ssyncadd.s32 $0xFFFFCE00;
	s31 =	sadd.s32 s4, s12;
	s4 =	smov.u32 s6  }
0xa5: {  	[hbm4b:s31+s2] =	stream.linear.scatter [tilespmem:s20], [sflag:$0x10], $0x3200, $0x38;
	[tilespmem:$0x1F400] =	vst v63  }
0xa6: {  	s0 =	simm.s32 @!p0 $0xD  }
0xa7: {  	_ =	swait.ge @!p0 [sflag:s0], $0x3200  }
0xa8: {  	s1 =	sshra.s32 s4, $0x2;
	[sflag:s0] =	ssyncset.done @!p0 $0x0  }
0xa9: {  	s31 =	sadd.s32 $0x640, s1;
	[sflag:s0] =	ssyncadd.s32 @!p0 $0xFFFFCE00  }
0xaa: {  	[tilespmem:s14], [sflag:$0x5] =	stream.indirect.gather [hbm4b:s3+s7], $0x20, s31, s7, $0xb8;
	[tilespmem:$0x1F400] =	vst v63  }
0xab: {  	_ =	swait.ge [sflag:s15], $0x3200  }
0xac: {  	s5 =	rddreg [dreg:$0x6];
	[sflag:s15] =	ssyncset.done $0x0  }
0xad: {  	[sflag:s15] =	ssyncadd.s32 $0xFFFFCE00;
	s0 =	sadd.s32 s4, s5;
	s5 =	simm.s32 @!p0 $0xE  }
0xae: {  	[hbm4b:s0+s2] =	stream.linear.scatter [tilespmem:s8], [sflag:$0x9], $0x3200, $0x38;
	[tilespmem:$0x1F400] =	vst v63  }
0xaf: {  	_ =	swait.ge @!p0 [sflag:s5], $0x3200  }
0xb0: {  	[sflag:s5] =	ssyncset.done @!p0 $0x0  }
0xb1: {  	s6 =	sadd.s32 $0x7D0, s1;
	[sflag:s5] =	ssyncadd.s32 @!p0 $0xFFFFCE00  }
0xb2: {  	[tilespmem:s16], [sflag:$0x6] =	stream.indirect.gather [hbm4b:s3+s7], $0x20, s6, s7, $0xb8;
	[tilespmem:$0x1F400] =	vst v63  }
0xb3: {  	_ =	swait.ge [sflag:s17], $0x3200  }
0xb4: {  	s10 =	rddreg [dreg:$0x5];
	[sflag:s17] =	ssyncset.done $0x0  }
0xb5: {  	s5 =	simm.s32 @!p0 $0xF;
	[sflag:s17] =	ssyncadd.s32 $0xFFFFCE00;
	s0 =	sadd.s32 s4, s10  }
0xb6: {  	[hbm4b:s0+s2] =	stream.linear.scatter [tilespmem:s9], [sflag:$0xA], $0x3200, $0x38;
	[tilespmem:$0x1F400] =	vst v63  }
0xb7: {  	_ =	swait.ge @!p0 [sflag:s5], $0x3200  }
0xb8: {  	[sflag:s5] =	ssyncset.done @!p0 $0x0  }
0xb9: {  	s12 =	sadd.s32 $0x960, s1;
	[sflag:s5] =	ssyncadd.s32 @!p0 $0xFFFFCE00  }
0xba: {  	[tilespmem:s18], [sflag:$0x7] =	stream.indirect.gather [hbm4b:s3+s7], $0x20, s12, s7, $0xb8;
	[tilespmem:$0x1F400] =	vst v63  }
0xbb: {  	_ =	swait.ge [sflag:s19], $0x3200  }
0xbc: {  	s31 =	rddreg [dreg:$0x4];
	[sflag:s19] =	ssyncset.done $0x0  }
0xbd: {  	s5 =	simm.s32 @!p0 $0x10;
	[sflag:s19] =	ssyncadd.s32 $0xFFFFCE00;
	s0 =	sadd.s32 s4, s31  }
0xbe: {  	[hbm4b:s0+s2] =	stream.linear.scatter [tilespmem:s11], [sflag:$0xB], $0x3200, $0x38;
	[tilespmem:$0x1F400] =	vst v63  }
0xbf: {  	_ =	swait.ge @!p0 [sflag:s5], $0x3200  }
0xc0: {  	[sflag:s5] =	ssyncset.done @!p0 $0x0  }
0xc1: {  	[sflag:s5] =	ssyncadd.s32 @!p0 $0xFFFFCE00;
	s5 =	sadd.s32 $0xAF0, s1  }
0xc2: {  	[tilespmem:s20], [sflag:$0x8] =	stream.indirect.gather [hbm4b:s3+s7], $0x20, s5, s7, $0xb8;
	[tilespmem:$0x1F400] =	vst v63  }
0xc3: {  	_ =	swait.ge [sflag:s21], $0x3200  }
0xc4: {  	s6 =	rddreg [dreg:$0x3];
	[sflag:s21] =	ssyncset.done $0x0  }
0xc5: {  	[sflag:s21] =	ssyncadd.s32 $0xFFFFCE00;
	s0 =	sadd.s32 s4, s6  }
0xc6: {  	[hbm4b:s0+s2] =	stream.linear.scatter [tilespmem:s13], [sflag:$0xC], $0x3200, $0x38;
	[tilespmem:$0x1F400] =	vst v63  }
0xc7: {  	p0 =	seq.s32 s4, $0x15E00;
	_ =	swait.ge [sflag:s22], $0x3200  }
0xc8: {  	s1 =	simm.s32 @!p0 $0x6400;
	s0 =	sshra.s32 @!p0 s4, $0x2;
	[sflag:s22] =	ssyncset.done $0x0  }
0xc9: {  	s6 =	simm.s32 @!p0 $0x190;
	s5 =	sadd.s32 @!p0 $0xC80, s0;
	[sflag:s22] =	ssyncadd.s32 $0xFFFFCE00  }
0xca: {  	[tilespmem:s1], [sflag:$0x1] =	stream.indirect.gather @!p0 [hbm4b:s3+s6], $0x20, s5, s6, $0xb8;
	[tilespmem:$0x1F400] =	vst v63  }
0xcb: {  	_ =	swait.ge [sflag:s23], $0x3200  }
0xcc: {  	s10 =	rddreg [dreg:$0xa];
	[sflag:s23] =	ssyncset.done $0x0  }
0xcd: {  	[sflag:s23] =	ssyncadd.s32 $0xFFFFCE00;
	s1 =	sadd.s32 s4, s10  }
0xce: {  	[hbm4b:s1+s2] =	stream.linear.scatter [tilespmem:s14], [sflag:$0xD], $0x3200, $0x38;
	[tilespmem:$0x1F400] =	vst v63  }
0xcf: {  	_ =	swait.ge [sflag:s24], $0x3200  }
0xd0: {  	[sflag:s24] =	ssyncset.done $0x0  }
0xd1: {  	s5 =	simm.s32 @!p0 $0x9600;
	s1 =	sadd.s32 @!p0 $0xE10, s0;
	[sflag:s24] =	ssyncadd.s32 $0xFFFFCE00  }
0xd2: {  	[tilespmem:s5], [sflag:$0x2] =	stream.indirect.gather @!p0 [hbm4b:s3+s6], $0x20, s1, s6, $0xb8;
	[tilespmem:$0x1F400] =	vst v63  }
0xd3: {  	_ =	swait.ge [sflag:s25], $0x3200  }
0xd4: {  	s12 =	rddreg [dreg:$0x9];
	[sflag:s25] =	ssyncset.done $0x0  }
0xd5: {  	[sflag:s25] =	ssyncadd.s32 $0xFFFFCE00;
	s1 =	sadd.s32 s4, s12  }
0xd6: {  	[hbm4b:s1+s2] =	stream.linear.scatter [tilespmem:s16], [sflag:$0xE], $0x3200, $0x38;
	[tilespmem:$0x1F400] =	vst v63  }
0xd7: {  	_ =	swait.ge [sflag:s26], $0x3200  }
0xd8: {  	[sflag:s26] =	ssyncset.done $0x0  }
0xd9: {  	s5 =	simm.s32 @!p0 $0xC800;
	s1 =	sadd.s32 @!p0 $0xFA0, s0;
	[sflag:s26] =	ssyncadd.s32 $0xFFFFCE00  }
0xda: {  	[tilespmem:s5], [sflag:$0x3] =	stream.indirect.gather @!p0 [hbm4b:s3+s6], $0x20, s1, s6, $0xb8;
	[tilespmem:$0x1F400] =	vst v63  }
0xdb: {  	_ =	swait.ge [sflag:s28], $0x3200  }
0xdc: {  	s31 =	rddreg [dreg:$0x8];
	[sflag:s28] =	ssyncset.done $0x0  }
0xdd: {  	[sflag:s28] =	ssyncadd.s32 $0xFFFFCE00;
	s1 =	sadd.s32 s4, s31  }
0xde: {  	[hbm4b:s1+s2] =	stream.linear.scatter [tilespmem:s18], [sflag:$0xF], $0x3200, $0x38;
	[tilespmem:$0x1F400] =	vst v63  }
0xdf: {  	_ =	swait.ge [sflag:s29], $0x3200  }
0xe0: {  	[sflag:s29] =	ssyncset.done $0x0  }
0xe1: {  	s0 =	sadd.s32 @!p0 $0x1130, s0;
	s1 =	simm.s32 @!p0 $0xFA00;
	[sflag:s29] =	ssyncadd.s32 $0xFFFFCE00  }
0xe2: {  	[tilespmem:s1], [sflag:$0x4] =	stream.indirect.gather @!p0 [hbm4b:s3+s6], $0x20, s0, s6, $0xb8;
	[tilespmem:$0x1F400] =	vst v63  }
0xe3: {  	_ =	swait.ge [sflag:s30], $0x3200  }
0xe4: {  	s1 =	rddreg [dreg:$0x7];
	[sflag:s30] =	ssyncset.done $0x0  }
0xe5: {  	s0 =	sadd.s32 s4, s1;
	[sflag:s30] =	ssyncadd.s32 $0xFFFFCE00;
	s4 =	simm.s32 $0xD  }
0xe6: {  	[hbm4b:s0+s2] =	stream.linear.scatter [tilespmem:s20], [sflag:$0x10], $0x3200, $0x38;
	[tilespmem:$0x1F400] =	vst v63  }
0xe7: {  	_ =	swait.ge [sflag:s4], $0x3200  }
0xe8: {  	[sflag:s4] =	ssyncset.done $0x0  }
0xe9: {  	s5 =	simm.s32 $0xE;
	[sflag:s4] =	ssyncadd.s32 $0xFFFFCE00  }
0xea: {  	_ =	swait.ge [sflag:s5], $0x3200  }
0xeb: {  	[sflag:s5] =	ssyncset.done $0x0  }
0xec: {  	s6 =	simm.s32 $0xF;
	[sflag:s5] =	ssyncadd.s32 $0xFFFFCE00  }
0xed: {  	_ =	swait.ge [sflag:s6], $0x3200  }
0xee: {  	[sflag:s6] =	ssyncset.done $0x0  }
0xef: {  	s10 =	simm.s32 $0x10;
	[sflag:s6] =	ssyncadd.s32 $0xFFFFCE00  }
0xf0: {  	_ =	swait.ge [sflag:s10], $0x3200  }
0xf1: {  	s12 =	rddreg [dreg:$0xd]  }
0xf2: {  	s31 =	rddreg [dreg:$0xc];
	s4 =	sadd.s32 $0x1, s12  }
0xf3: {  	p0 =	sne.s32 s4, s31  }
.Ltmp1:
0xf4: {  	_ = 	snop;
	(pc) =	sbr.rel @p0 .LBB2_1-.Ltmp1, $3  }
0xf5: {  	_ =	sdelay $0x1  }
0xf6: {  	[sflag:s10] =	ssyncset.done $0x0  }
0xf7: {  	[sflag:s10] =	ssyncadd.s32 $0xFFFFCE00  }
0xf8: {  	_ =	sfence.sel $0x180000  }
0xf9: {  	[bflag:$0x0] =	sbarrier.arrive $0xFFFF  }
0xfa: {  	_ =	strace $0x90000047  }
0xfb: {  	s0 =	stileid.u32;
	[bflag:$0x2] =	sbarrier.arrive $0xFFFF  }
0xfc: {  	p0 =	sne.s32 s0, $0x0;
	s0 =	rddreg [dreg:$0x2]  }
0xfd: {  	s0 =	sadd.s32 @!p0 $0x100000, s0  }
0xfe: {  	[sflag:s0] =	ssyncadd.tile.s32 @!p0 $0x1;
	_ =	shalt  }
.Lfunc_end2:
_tile_overlayer_lowered:
.L_overlay_start_2:
0xff: {  	(tag) =	ssettag $0x2  }
0x100: {  	s0 =	rddreg [dreg:$0x0];
	s2 =	stileid.u32  }
0x101: {  	s1 =	rddreg [dreg:$0x1];
	p0 =	sne.s32 s2, $0x0  }
0x102: {  	s3 =	rddreg [dreg:$0x2];
	[bflag:$0x3] =	sbarrier.arrive $0xFFFF;
	s2 =	simm.s32 @!p0 $0x1C11  }
0x103: {  	[timem:s3], [sflag:s2] =	dma.local @!p0 [hbm:s0], s1  }
0x104: {  	s0 =	simm.s32 @!p0 $0x11  }
0x105: {  	_ =	swait.ge @!p0 [sflag:s0], s1  }
0x106: {  	s1 =	ssub.s32 @!p0 $0x0, s1;
	[sflag:s0] =	ssyncset.done @!p0 $0x0  }
0x107: {  	[sflag:s0] =	ssyncadd.s32 @!p0 s1  }
0x108: {  	[bflag:$0x3] =	sbarrier.arrive $0xFFFF  }
0x109: {  	_ =	shalt  }

// kernel: sparse-core-data-format-call.cloned.1.call-start
scs
called_computation_lowered:
.L_overlay_start_0:
0x0: {  	s2 =	sld [smem:$0x3FD9]  }
0x1: {  	s3 =	sld [smem:$0x3FFE];
	_ =	sdelay $0x1  }
0x2: {  	s1 =	srdreg.scid  }
0x3: {  	s0 =	sand.u32 $0x1, s1  }
0x4: {  	s18 =	sshll.u32 s0, $0xA;
	s2 =	sadd.s32 s3, s2  }
0x5: {  	s2 =	sadd.s32 s2, s18  }
0x6: {  	[smem:$0x3FC6] =	sst s2  }
0x7: {  	_ = 	snop  }
0x8: {  	s2 =	sld [smem:$0x3FD0];
	(tm) =	ssettm $0x1  }
0x9: {  	s19 =	sld [smem:$0x3FFB];
	_ =	sdelay $0x3  }
0xa: {  	_ =	strace s19  }
0xb: {  	s3 =	sld [smem:$0x3FFC];
	_ =	sdelay $0x3  }
0xc: {  	_ =	strace s3  }
0xd: {  	s3 =	sld [smem:$0x3FFD];
	_ =	sdelay $0x3  }
0xe: {  	_ =	strace s3  }
0xf: {  	_ =	strace $0x8FFFFFFF  }
0x10: {  	s20 =	sld [smem:$0x3FDB];
	_ =	sdelay $0x1  }
0x11: {  	s4 =	simm.s32 $_scs_section_size  }
0x12: {  	s5 =	simm.s32 $_size__tile_overlayer_lowered;
	s6 =	simm.s32 $_tile_overlayer_lowered  }
0x13: {  	s23 =	simm.s32 $0x1BFF;
	s22 =	sshll.u32 s6, $0x1;
	s3 =	sadd.s32 s4, s20  }
0x14: {  	s7 =	simm.s32 $0x0;
	s21 =	sshll.u32 s5, $0x1;
	s5 =	sadd.s32 s22, s3  }
0x15: {  	[timem:s7], [sflag:s23] =	dma.local [hbm:s5], s21  }
0x16: {  	_ =	swait.ge [sflag:s23], s21  }
0x17: {  	s4 =	ssub.s32 $0x0, s21;
	[sflag:s23] =	ssyncset.done $0x0  }
0x18: {  	[sflag:s23] =	ssyncadd.s32 s4;
	_ =	sdelay $0x1  }
0x19: {  	s24 =	simm.s32 $0x1B8B  }
0x1a: {  	_ =	swait.ge [sflag:s24], $0x1  }
0x1b: {  	[sflag:s24] =	ssyncset.done $0x0  }
0x1c: {  	s26 =	simm.s32 $0x1B8E;
	s25 =	sld [smem:$0x3FFE];
	[sflag:s24] =	ssyncadd.s32 $0xFFFFFFFF  }
0x1d: {  	s27 =	simm.s32 $execute0_lowered;
	[smem:$0x3FD2] =	sst s26  }
0x1e: {  	s5 =	sshll.u32 s27, $0x1;
	_ =	strace $0x80000049;
	[dreg:$0x1] =	wrdreg $0xFFFFFFFF  }
0x1f: {  	s28 =	simm.s32 $_size_execute0_lowered;
	s3 =	sadd.s32 s3, s5;
	[dreg:$0x0] =	wrdreg $0x0  }
0x20: {  	s5 =	sshll.u32 s28, $0x1;
	[dreg:$0x2] =	wrdreg s3  }
0x21: {  	[dreg:$0x3] =	wrdreg s5  }
0x22: {  	[dreg:$0x4] =	wrdreg $0xC0  }
0x23: {  	_ =	task [dreg:s7], $0x5FFFF  }
0x24: {  	[dreg:$0x1] =	wrdreg $0xFFFFFFFF  }
0x25: {  	[dreg:$0x0] =	wrdreg $0x60  }
0x26: {  	[dreg:$0x2] =	wrdreg s25  }
0x27: {  	[dreg:$0x3] =	wrdreg s2  }
0x28: {  	[dreg:$0x4] =	wrdreg $0x9  }
0x29: {  	_ =	task.clear_ibuf [dreg:s7], $0x5FFFF;
	_ =	strace $0x90000049  }
0x2a: {  	s29 =	simm.s32 $0x9;
	_ =	strace $0x8000004B  }
0x2b: {  	_ =	swait.ge [sflag:s29], $0x1  }
0x2c: {  	[sflag:s29] =	ssyncadd.s32 $0xFFFFFFFF  }
0x2d: {  	_ =	strace $0x9000004B  }
0x2e: {  	_ =	sfence  }
0x2f: {  	s30 =	sld [smem:$0x0];
	_ =	sdelay $0x2  }
0x30: {  	s31 =	sshll.u32 s1, $0xD;
	s1 =	sshrl.u32 s1, $0x2  }
0x31: {  	s3 =	sand.u32 $0x4000, s31;
	s1 =	sadd.s32 s1, s30  }
0x32: {  	s0 =	sor.u32 s3, s0;
	s1 =	sshll.u32 s1, $0x11  }
0x33: {  	s0 =	sor.u32 s1, s0  }
0x34: {  	s0 =	sadd.s32 $0x8F2B, s0  }
0x35: {  	[sflag:s0] =	ssyncadd.remote.s32 $0x1  }
0x36: {  	_ =	sfence.sel $0xFFFF  }
0x37: {  	[dreg:$0x0] =	wrdreg $0xFFFFFFFF;
	(pc) =	sbr.abs _section_cstart, $3  }
0x38: {  	[dreg:$0x1] =	wrdreg $0xFFFFFFFF  }
0x39: {  	_ =	task.clear_ibuf [dreg:s7], $0x2FFFF;
	_ =	strace $0x9FFFFFFF  }
0x3a: {  	(tm) =	ssettm $0x7FFFFFFF  }
0x3b: {  	_ =	shalt  }
tec
execute0_lowered:
.L_overlay_start_1:
0x0: {  	(tag) =	ssettag $0x1  }
0x1: {  	s0 =	srdreg.scid  }
0x2: {  	s1 =	sshll.u32 s0, $0x4  }
0x3: {  	s0 =	stileid.u32;
	s1 =	sand.u32 $0x10, s1  }
0x4: {  	s7 =	rddreg [dreg:$0x0];
	s1 =	sor.u32 s0, s1  }
0x5: {  	s4 =	simm.s32 $0x1;
	s8 =	simm.s32 $0x2;
	s2 =	sshll.u32 s1, $0x7  }
0x6: {  	s13 =	simm.s32 $0x0;
	s9 =	simm.s32 $0x20000;
	s1 =	ssub.s32 $0x4000, s2  }
0x7: {  	s14 =	simm.s32 $0x0;
	s11 =	simm.s32 $0x0;
	s3 =	sand.u32 $0xF80, s1  }
0x8: {  	s12 =	simm.s32 $0x0;
	s5 =	sshrl.u32 s1, $0xC;
	p0 =	sne.s32 s3, $0x0  }
.Ltmp0:
0x9: {  	s1 =	rddreg [dreg:$0x2];
	s4 =	simm.s32 @!p0 $0x0;
	(pc) =	sbr.rel .LBB1_1-.Ltmp0, $4  }
0xa: {  	s6 =	sadd.s32 $0xA00, s7;
	s3 =	rddreg [dreg:$0x1];
	s5 =	sadd.s32 s4, s5  }
0xb: {  	_ =	strace $0x8000004A;
	s4 =	simm.s32 $0x1;
	s5 =	smul.u32 $0x19, s5  }
0xc: {  	s7 =	sadd.s32 $0x40A00, s7;
	s10 =	smov.u32 s2;
	[sflag:s4] =	ssyncpa.u1 $0x0  }
0xd: {  	p0 =	por $0x0, $0x0;
	[sflag:s8] =	ssyncpa.u1 $0x0;
	s8 =	sadd.s32 $0x1, s5  }
.LBB1_7:
0xe: {  	s15 =	sadd.s32 $0x1000, s10  }
0xf: {  	s13 =	sadd.s32 $0x2, s11;
	s17 =	smov.u32 s11;
	p2 =	sgt.s32 s15, $0x3FFF  }
0x10: {  	s17 =	smov.u32 @p2 s13  }
0x11: {  	s15 =	smov.u32 @p2 s2;
	p2 =	sgt.s32 s17, $0x31  }
0x12: {  	s17 =	simm.s32 @p2 $0x0;
	p2 =	sne.s32 s12, s8  }
.Ltmp1:
0x13: {  	p1 =	slt.u32 s12, $0x2;
	(pc) =	sbr.rel @!p2 .LBB1_8-.Ltmp1, $4  }
0x14: {  	s16 =	simm.s32 @!p1 $0x2  }
0x15: {  	s14 =	smov.u32 s11;
	p0 =	por !p0, !p0;
	_ =	swait.ge @!p1 [sflag:s16], $0x2000  }
0x16: {  	s13 =	smov.u32 s10;
	[sflag:s16] =	ssyncset.done @!p1 $0x0;
	s10 =	smov.u32 s15  }
0x17: {  	s12 =	sadd.s32 $0x1, s12;
	[sflag:s16] =	ssyncadd.s32 @!p1 $0xFFFFE000;
	s11 =	smov.u32 s17  }
.LBB1_1:
0x18: {  	p1 =	sge.u32 s12, s5  }
0x19: {  	s15 =	sxor.u32 @!p1 $0xFFFFFFFF, s12;
	s16 =	sshll.u32 @!p1 s11, $0x12  }
0x1a: {  	s17 =	sshll.u32 @!p1 s10, $0x4;
	s19 =	simm.s32 @!p1 $0x20;
	s20 =	simm.s32 @!p1 $0x80  }
0x1b: {  	s15 =	sshll.u32 @!p1 s15, $0xD;
	s17 =	sand.u32 @!p1 $0x3FFF0, s17;
	s18 =	sadd.s32 @!p1 s6, s16  }
0x1c: {  	s16 =	sadd.s32 @!p1 s16, s7;
	s15 =	sand.u32 @!p1 $0x2000, s15;
	s18 =	sadd.s32 @!p1 s17, s18  }
0x1d: {  	[tilespmem:s15], [sflag:$0x1] =	stream.strided.gather @!p1 [hbm4b:s18+s19], $0x1000, s20, s19, $0x38;
	[tilespmem:$0x8080] =	vst v63  }
0x1e: {  	s31 =	sadd.s32 $0xFFFFFFFF, s12;
	s16 =	sadd.s32 @!p1 s17, s16;
	s15 =	sor.u32 @!p1 $0x1000, s15  }
0x1f: {  	[tilespmem:s15], [sflag:$0x1] =	stream.strided.gather @!p1 [hbm4b:s16+s19], $0x1000, s20, s19, $0x38;
	[tilespmem:$0x8080] =	vst v63  }
0x20: {  	p1 =	sge.u32 s31, s5  }
.Ltmp2:
0x21: {  	_ = 	snop;
	(pc) =	sbr.rel @p1 .LBB1_7-.Ltmp2, $1  }
0x22: {  	_ =	sdelay $0x3  }
0x23: {  	s15 =	simm.s32 $0x1;
	s17 =	sand.u32 $0x1, s12  }
0x24: {  	_ =	swait.ge [sflag:s4], $0x2000;
	s15 =	simm.s32 @!p0 $0x0;
	s17 =	smul.u32 $0x8100, s17  }
0x25: {  	p2 =	por $0x1, $0x1;
	[sflag:s4] =	ssyncset.done $0x0;
	s16 =	smul.u32 $0x8100, s15  }
0x26: {  	s18 =	sshll.u32 s15, $0xF;
	[sflag:s4] =	ssyncadd.s32 $0xFFFFE000;
	s30 =	sshrl.u32 s17, $0x2  }
0x27: {  	s31 =	sshrl.u32 s18, $0x2;
	s18 =	simm.s32 $0x0;
	s16 =	sshrl.u32 s16, $0x2  }
0x28: {  	s15 =	sor.u32 $0x4000, s30;
	s17 =	sadd.s32 $0x10, s31;
	s16 =	sor.u32 $0x4000, s16  }
.LBB1_3:
0x29: {  	s19 =	sshll.u32 s18, $0xC  }
0x2a: {  	s19 =	sand.u32 $0x3FFFF000, s19  }
0x2b: {  	s20 =	sadd.s32 s19, s17  }
0x2c: {  	s31 =	smul.u32 $0x4080, s18;
	v1 =	vld [tilespmem:s20+$0x0]  }
0x2d: {  	v0 =	vld [tilespmem:s20+$0xFFFFFFF0]  }
0x2e: {  	s18 =	sshra.s32 s31, $0x2  }
0x2f: {  	s18 =	sadd.s32 s18, s16  }
0x30: {  	s21 =	sadd.s32 $0x0, s18  }
0x31: {  	p1 =	por p2, p2;
	s19 =	simm.s32 $0x4;
	s20 =	sadd.s32 $0x20, s20;
	[tilespmem:s21+$0x810 ss:$0x81] =	vst.msk $0xffff, v1  }
.LBB1_4:
0x32: {  	v1 =	vld [tilespmem:s20+$0x0];
	p2 =	sne.s32 s19, $0x1FC;
	[tilespmem:s21+$0x0 ss:$0x81] =	vst.msk $0xffff, v0;
	s21 =	smov.u32 s19;
	s19 =	sadd.s32 $0x4, s19  }
.Ltmp3:
0x33: {  	v0 =	vld [tilespmem:s20+$0xFFFFFFF0];
	(pc) =	sbr.rel @p2 .LBB1_4-.Ltmp3, $4  }
0x34: {  	_ = 	snop  }
0x35: {  	s21 =	sshra.s32 s21, $0x2  }
0x36: {  	s21 =	sadd.s32 s21, s18  }
0x37: {  	s20 =	sadd.s32 $0x20, s20;
	[tilespmem:s21+$0x810 ss:$0x81] =	vst.msk $0xffff, v1  }
.Ltmp4:
0x38: {  	(pc) =	sbr.rel @p1 .LBB1_3-.Ltmp4, $2  }
0x39: {  	_ =	sdelay $0x2  }
0x3a: {  	[tilespmem:s21+$0x0 ss:$0x81] =	vst.msk $0xffff, v0;
	s18 =	simm.s32 $0x1;
	p2 =	por $0x0, $0x0  }
0x3b: {  	s16 =	sshll.u32 s13, $0x3;
	s17 =	sand.u32 $0x78, s13;
	s14 =	sshll.u32 s14, $0x10  }
.Ltmp5:
0x3c: {  	s30 =	sand.u32 $0xF800, s13;
	s16 =	sand.u32 $0x3C00, s16;
	(pc) =	sbr.rel .LBB1_7-.Ltmp5, $4  }
0x3d: {  	s31 =	sand.u32 $0x7, s13;
	s14 =	sadd.s32 s3, s14;
	s16 =	sor.u32 s17, s16  }
0x3e: {  	s13 =	sshll.u32 s31, $0x12;
	s14 =	sadd.s32 s30, s14;
	s16 =	sshrl.u32 s16, $0x3  }
0x3f: {  	s13 =	sor.u32 $0x400, s13;
	s14 =	sadd.s32 s16, s14  }
0x40: {  	[hbm4b:s14+s13] =	stream.strided.scatter [tilespmem:s15], [sflag:$0x2], $0x2000, s9, s13, $0x20;
	[tilespmem:$0x8080] =	vst v63  }
.LBB1_8:
0x41: {  	_ =	sfence.sel $0x180000  }
0x42: {  	s2 =	simm.s32 $0x1;
	[bflag:$0x0] =	sbarrier.arrive $0xFFFF  }
0x43: {  	s31 =	simm.s32 $0x2;
	[sflag:s2] =	ssyncpa.u1 $0x1  }
0x44: {  	[sflag:s31] =	ssyncpa.u1 $0x1  }
0x45: {  	p0 =	sne.s32 s0, $0x0;
	_ =	strace $0x9000004A  }
0x46: {  	s0 =	sadd.s32 @!p0 $0x100000, s1;
	[bflag:$0x2] =	sbarrier.arrive $0xFFFF  }
0x47: {  	[sflag:s0] =	ssyncadd.tile.s32 @!p0 $0x1;
	_ =	shalt  }
.Lfunc_end1:
_tile_overlayer_lowered:
.L_overlay_start_2:
0x48: {  	(tag) =	ssettag $0x2  }
0x49: {  	s0 =	rddreg [dreg:$0x0];
	s2 =	stileid.u32  }
0x4a: {  	s1 =	rddreg [dreg:$0x1];
	p0 =	sne.s32 s2, $0x0  }
0x4b: {  	s3 =	rddreg [dreg:$0x2];
	[bflag:$0x3] =	sbarrier.arrive $0xFFFF;
	s2 =	simm.s32 @!p0 $0x1C01  }
0x4c: {  	[timem:s3], [sflag:s2] =	dma.local @!p0 [hbm:s0], s1  }
0x4d: {  	s0 =	simm.s32 @!p0 $0x1  }
0x4e: {  	_ =	swait.ge @!p0 [sflag:s0], s1  }
0x4f: {  	s1 =	ssub.s32 @!p0 $0x0, s1;
	[sflag:s0] =	ssyncset.done @!p0 $0x0  }
0x50: {  	[sflag:s0] =	ssyncadd.s32 @!p0 s1  }
0x51: {  	[bflag:$0x3] =	sbarrier.arrive $0xFFFF  }
0x52: {  	_ =	shalt  }

</sc_bundles>
